<compile_context>
chip_gen: v7x
topology: tpu7x:2x2x1
jax: 0.10.2.dev20260603
libtpu: 0.0.44.dev20260713+nightly
codegen_flags: <defaults>
</compile_context>

<pallas_src>
import functools

import jax
import jax.numpy as jnp
from jax import lax
from jax.experimental import pallas as pl
from jax.experimental.pallas import tpu as pltpu
from jax.experimental.pallas import tpu_sc as plsc

N = 1_000_000
CH = 4_000
NCHUNK = N // CH
NW = 32
NV = CH // 16
U = 4
HR = 128
H = HR * 16
DMIN = -18.0
DMAX = 18.0
BSCALE = H / (DMAX - DMIN)
POS_NEG_RATIO = 3.0

_P0 = 2.2132784e-05
_P1 = 0.9990102089
_P2 = -0.4891557820
_P3 = 0.2833023836
_P4 = -0.1301179303
_P5 = 0.0301022476

_MESH2 = plsc.VectorSubcoreMesh(core_axis_name="c", subcore_axis_name="s",
                                num_cores=2)
_MESH1 = plsc.VectorSubcoreMesh(core_axis_name="c", subcore_axis_name="s",
                                num_cores=1)
_PARAMS = pltpu.CompilerParams(needs_layout_passes=False)


def _log1p_poly(e):
    return _P0 + e * (_P1 + e * (_P2 + e * (_P3 + e * (_P4 + e * _P5))))


def _gid():
    return lax.axis_index("c") * 16 + lax.axis_index("s")


def _nchunks(g):
    return jnp.where(g < NCHUNK % NW, NCHUNK // NW + 1, NCHUNK // NW)


PW = N // NW
SZ = 31256
FULLV = 1952
TAILV = 2
PAD = (FULLV + TAILV) * 16


@functools.partial(
    pl.kernel,
    out_type=jax.ShapeDtypeStruct((NW, 3, 16), jnp.float32),
    mesh=_MESH2,
    compiler_params=_PARAMS,
    scratch_types=[
        pltpu.VMEM((PAD,), jnp.float32),
        pltpu.VMEM((PAD,), jnp.float32),
        pltpu.VMEM((PAD,), jnp.int32),
        pltpu.VMEM((3, 16), jnp.float32),
    ],
)
def _pass1(l0_hbm, l1_hbm, lab_hbm, out_hbm, l0_v, l1_v, lab_v, stage_v):
    g = _gid()
    iota = lax.iota(jnp.int32, 16)
    z16 = jnp.zeros((16,), jnp.float32)

    b = pl.multiple_of(lax.bitwise_and(g * PW, -8), 8)
    e = jnp.where(g == NW - 1, N, lax.bitwise_and((g + 1) * PW, -8))
    ln = e - b
    pltpu.sync_copy(l0_hbm.at[pl.ds(b, SZ)], l0_v.at[pl.ds(0, SZ)])
    pltpu.sync_copy(l1_hbm.at[pl.ds(b, SZ)], l1_v.at[pl.ds(0, SZ)])
    pltpu.sync_copy(lab_hbm.at[pl.ds(b, SZ)], lab_v.at[pl.ds(0, SZ)])

    def step(bv, valid):
        l0 = l0_v[pl.ds(bv, 16)]
        l1 = l1_v[pl.ds(bv, 16)]
        y = lab_v[pl.ds(bv, 16)]
        yf = y.astype(jnp.float32)
        m = l1 - l0
        if valid is not None:
            m = jnp.where(valid, m, 0.0)
            yf = jnp.where(valid, yf, 0.0)
        a = jnp.abs(m)
        ex = jnp.exp(-a)
        ce = 0.5 * (a + m) - m * yf + _log1p_poly(ex)
        if valid is not None:
            ce = jnp.where(valid, ce, 0.0)
        return ce, yf

    def vec_body(i, accs):
        accs = list(accs)
        for u in range(U):
            sp, st, cp = accs[3 * u:3 * u + 3]
            ce, yf = step((i * U + u) * 16, None)
            accs[3 * u] = sp + ce * yf
            accs[3 * u + 1] = st + ce
            accs[3 * u + 2] = cp + yf
        return tuple(accs)

    accs = lax.fori_loop(0, FULLV // U, vec_body, (z16,) * (3 * U))
    sp = sum(accs[0::3], z16)
    st = sum(accs[1::3], z16)
    cp = sum(accs[2::3], z16)
    for t in range(TAILV):
        bv = (FULLV + t) * 16
        ce, yf = step(bv, bv + iota < ln)
        sp = sp + ce * yf
        st = st + ce
        cp = cp + yf

    stage_v[0, :] = sp
    stage_v[1, :] = st
    stage_v[2, :] = cp
    pltpu.sync_copy(stage_v, out_hbm.at[g])


@functools.partial(
    pl.kernel,
    out_type=(jax.ShapeDtypeStruct((HR, NW, 16), jnp.float32),
              jax.ShapeDtypeStruct((HR, NW, 16), jnp.float32)),
    mesh=_MESH2,
    compiler_params=_PARAMS,
    scratch_types=[
        pltpu.VMEM((CH,), jnp.float32),
        pltpu.VMEM((CH,), jnp.float32),
        pltpu.VMEM((CH,), jnp.int32),
        pltpu.VMEM((HR, 16), jnp.float32),
        pltpu.VMEM((HR, 16), jnp.float32),
    ],
)
def _hist(l0_hbm, l1_hbm, lab_hbm, hcnt_hbm, hsum_hbm, l0_v, l1_v, lab_v,
          hcnt_v, hsum_v):
    g = _gid()
    z16 = jnp.zeros((16,), jnp.float32)
    ones = jnp.ones((16,), jnp.float32)

    def zero_hist(i, _):
        hcnt_v[i, :] = z16
        hsum_v[i, :] = z16
        return 0

    lax.fori_loop(0, HR, zero_hist, 0)

    def chunk_body(j, _):
        c = g + j * NW
        pltpu.sync_copy(l0_hbm.at[pl.ds(c * CH, CH)], l0_v)
        pltpu.sync_copy(l1_hbm.at[pl.ds(c * CH, CH)], l1_v)
        pltpu.sync_copy(lab_hbm.at[pl.ds(c * CH, CH)], lab_v)

        def vec_body(i, _2):
            b = i * 16
            l0 = l0_v[pl.ds(b, 16)]
            l1 = l1_v[pl.ds(b, 16)]
            y = lab_v[pl.ds(b, 16)]
            neg = y == 0
            m = l1 - l0
            a = jnp.abs(m)
            ce = 0.5 * (a + m) + _log1p_poly(jnp.exp(-a))
            t = jnp.clip((m - DMIN) * BSCALE, 0.0, H - 1.0)
            bins = t.astype(jnp.int32)
            row = lax.shift_right_arithmetic(bins, 4)
            col = lax.bitwise_and(bins, 15)
            plsc.addupdate_scatter(hcnt_v, [row, col], ones, mask=neg)
            plsc.addupdate_scatter(hsum_v, [row, col], ce, mask=neg)
            return 0

        lax.fori_loop(0, NV, vec_body, 0)
        return 0

    lax.fori_loop(0, _nchunks(g), chunk_body, 0)

    def write_row(v, _):
        pltpu.sync_copy(hcnt_v.at[v], hcnt_hbm.at[v, g])
        pltpu.sync_copy(hsum_v.at[v], hsum_hbm.at[v, g])
        return 0

    lax.fori_loop(0, HR, write_row, 0)


@functools.partial(
    pl.kernel,
    out_type=jax.ShapeDtypeStruct((16,), jnp.float32),
    mesh=_MESH1,
    compiler_params=_PARAMS,
    scratch_types=[
        pltpu.VMEM((NW, 16), jnp.float32),
        pltpu.VMEM((NW, 16), jnp.float32),
        pltpu.VMEM((3, 16), jnp.float32),
        pltpu.VMEM((16,), jnp.float32),
    ],
)
def _walk(hcnt_hbm, hsum_hbm, par_hbm, out_hbm, cbuf_v, sbuf_v, par_v, res_v):
    wid = lax.axis_index("s")
    z16 = jnp.zeros((16,), jnp.float32)

    @pl.when(wid == 0)
    def _():
        pltpu.sync_copy(par_hbm, par_v)
        k = par_v[0, :]
        sum_pos = par_v[1, :]
        n_pos = par_v[2, :]

        def walk(r, carry):
            before, acc = carry
            v = HR - 1 - r
            pltpu.sync_copy(hcnt_hbm.at[v], cbuf_v)
            pltpu.sync_copy(hsum_hbm.at[v], sbuf_v)
            cvec = z16
            svec = z16
            for w in range(NW):
                cvec = cvec + cbuf_v[w, :]
                svec = svec + sbuf_v[w, :]
            cvec = lax.rev(cvec, (0,))
            svec = lax.rev(svec, (0,))
            cum = jnp.cumsum(cvec)
            cum_excl = before + (cum - cvec)
            take = jnp.clip(k - cum_excl, 0.0, cvec)
            avg = svec / jnp.maximum(cvec, 1.0)
            acc = acc + jnp.full((16,), jnp.sum(take * avg), jnp.float32)
            before = before + jnp.full((16,), jnp.sum(cvec), jnp.float32)
            return (before, acc)

        _, topk_sum = lax.fori_loop(0, HR, walk, (z16, z16))
        res_v[...] = sum_pos / n_pos + topk_sum / k
        pltpu.sync_copy(res_v, out_hbm)


def kernel(cls, regr, refi, target_cls, target_regr, target_refi):
    del regr, refi, target_regr, target_refi
    l0 = cls[0, :, 0]
    l1 = cls[0, :, 1]
    labels = target_cls.reshape(N).astype(jnp.int32)

    p = _pass1(l0, l1, labels)
    sum_pos = jnp.sum(p[:, 0, :])
    sum_tot = jnp.sum(p[:, 1, :])
    n_pos = jnp.sum(p[:, 2, :])
    sum_neg = sum_tot - sum_pos
    n_neg = jnp.float32(N) - n_pos

    def common_fn(_):
        return sum_pos / n_pos + sum_neg / n_neg

    def rare_fn(_):
        k = jnp.minimum(n_neg, POS_NEG_RATIO * n_pos)
        hcnt, hsum = _hist(l0, l1, labels)
        par = jnp.stack([jnp.full((16,), k, jnp.float32),
                         jnp.full((16,), sum_pos, jnp.float32),
                         jnp.full((16,), n_pos, jnp.float32)])
        return _walk(hcnt, hsum, par)[0]

    return lax.cond(n_neg <= POS_NEG_RATIO * n_pos, common_fn, rare_fn, None)

# --- scband reference (transcript-rebuilt; emitter-appended) ---
"""Pipeline reference for scband-rpn-loss-50869592654320 (READ-ONLY COPY).

The authoritative reference and input builder live on the scoring server;
editing this copy changes nothing except your own understanding.
"""

import jax, jax.numpy as jnp
import numpy as np


def _ce(logits, labels):
    # per-element cross entropy, reduction='none'
    lse = jax.nn.logsumexp(logits, axis=-1)
    picked = jnp.take_along_axis(logits, labels[:, None].astype(jnp.int32), axis=-1)[:, 0]
    return lse - picked


def setup_inputs(seed: int = 0) -> dict:
    key = jax.random.key(seed)
    ks = jax.random.split(key, 6)
    N = 1000000
    cls = jax.random.normal(ks[0], (1, N, 2), dtype=jnp.float32)
    regr = jax.random.normal(ks[1], (1, N, 4), dtype=jnp.float32)
    refi = jax.random.normal(ks[2], (1, N, 4), dtype=jnp.float32)
    target_cls = jax.random.randint(ks[3], (1, 1, N), 0, 2).astype(jnp.int32)
    target_regr = jax.random.normal(ks[4], (1, N, 4), dtype=jnp.float32)
    target_refi = jax.random.normal(ks[5], (1, N, 4), dtype=jnp.float32)
    return {"cls": cls, "regr": regr, "refi": refi, "target_cls": target_cls,
            "target_regr": target_regr, "target_refi": target_refi}


def reference(cls, regr, refi, target_cls, target_regr, target_refi):
    pos_neg_ratio = 3
    cls_gt = target_cls[0][0]
    pos_mask = cls_gt == 1
    neg_mask = cls_gt == 0
    ce_all = _ce(cls[0], cls_gt.astype(jnp.int32))
    n_pos = jnp.sum(pos_mask)
    n_neg = jnp.sum(neg_mask)
    loss_pos_mean = jnp.sum(jnp.where(pos_mask, ce_all, 0.0)) / n_pos.astype(ce_all.dtype)
    neg_vals = jnp.where(neg_mask, ce_all, -jnp.inf)
    sorted_desc = jnp.sort(neg_vals)[::-1]
    k = jnp.minimum(n_neg, n_pos * pos_neg_ratio)
    topk_mask = jnp.arange(sorted_desc.shape[0]) < k
    loss_neg_topk_mean = jnp.sum(jnp.where(topk_mask, sorted_desc, 0.0)) / k.astype(ce_all.dtype)
    loss_cls = loss_pos_mean + loss_neg_topk_mean
    return loss_cls

if __name__ == "__main__":
    import jax
    _d = setup_inputs()
    print(jax.jit(kernel)(*tuple(_d.values())))

</pallas_src>

<mosaic_0001>
#map = affine_map<(d0, d1) -> (0, 0, 0)>
#map1 = affine_map<(d0, d1) -> (0, 0)>
#map2 = affine_map<(d0, d1) -> (0)>
module attributes {stable_mosaic.version = 14 : i64} {
  func.func @_walk(%arg0: i32, %arg1: i32, %arg2: memref<128x32x16xf32, #tpu.memory_space<hbm>>, %arg3: memref<128x32x16xf32, #tpu.memory_space<hbm>>, %arg4: memref<3x16xf32, #tpu.memory_space<hbm>>, %arg5: memref<16xf32, #tpu.memory_space<hbm>>, %arg6: memref<32x16xf32, #tpu.memory_space<vmem>>, %arg7: memref<32x16xf32, #tpu.memory_space<vmem>>, %arg8: memref<3x16xf32, #tpu.memory_space<vmem>>, %arg9: memref<16xf32, #tpu.memory_space<vmem>>) attributes {dimension_semantics = [#tpu.dimension_semantics<core_parallel>, #tpu.dimension_semantics<subcore_parallel>], iteration_bounds = array<i64: 1, 16>, scalar_prefetch = 0 : i64, scratch_operands = 4 : i64, tpu.core_type = #tpu.core_type<sc_vector_subcore>, window_params = [{transform_indices = #map}, {transform_indices = #map}, {transform_indices = #map1}, {transform_indices = #map2}]} {
    %broadcast_in_dim3A = arith.constant 0.000000e+00 : f32
    %broadcast_in_dim3A_0 = vector.broadcast %broadcast_in_dim3A : f32 to vector<16xf32>
    %eq3A = arith.constant 0 : i32
    %eq3A_1 = arith.cmpi eq, %arg1, %eq3A : i32
    %convert_element_type3A = arith.extui %eq3A_1 : i1 to i32
    %cond3A = arith.constant 0 : i32
    %cond3A_2 = arith.cmpi ne, %convert_element_type3A, %cond3A : i32
    scf.if %cond3A_2 {
      "tpu.region"() ({
        %run_scoped3A = tpu.sem_alloc : memref<!tpu.dma_semaphore, #tpu.memory_space<semaphore_mem>>
        tpu.enqueue_dma source(%arg4 : memref<3x16xf32, #tpu.memory_space<hbm>>) target(%arg8 : memref<3x16xf32, #tpu.memory_space<vmem>>) target_semaphore(%run_scoped3A : memref<!tpu.dma_semaphore, #tpu.memory_space<semaphore_mem>>)
        tpu.wait_dma2 semaphore(%run_scoped3A : memref<!tpu.dma_semaphore, #tpu.memory_space<semaphore_mem>>) src(%arg4 : memref<3x16xf32, #tpu.memory_space<hbm>>) dst(%arg8 : memref<3x16xf32, #tpu.memory_space<vmem>>)
        tpu.yield
      }) : () -> ()
      %get3A = arith.constant 0 : i32
      %get3A_3 = arith.index_cast %get3A : i32 to index
      %get3A_4 = arith.constant 0 : index
      %get3A_5 = tpu.vector_load %arg8[%get3A_3, %get3A_4] {strides = array<i32>} : memref<3x16xf32, #tpu.memory_space<vmem>>, vector<16xf32>,
      %get3A_6 = arith.constant 1 : i32
      %get3A_7 = arith.index_cast %get3A_6 : i32 to index
      %get3A_8 = arith.constant 0 : index
      %get3A_9 = tpu.vector_load %arg8[%get3A_7, %get3A_8] {strides = array<i32>} : memref<3x16xf32, #tpu.memory_space<vmem>>, vector<16xf32>,
      %get3A_10 = arith.constant 2 : i32
      %get3A_11 = arith.index_cast %get3A_10 : i32 to index
      %get3A_12 = arith.constant 0 : index
      %get3A_13 = tpu.vector_load %arg8[%get3A_11, %get3A_12] {strides = array<i32>} : memref<3x16xf32, #tpu.memory_space<vmem>>, vector<16xf32>,
      %scan3A = arith.constant 0 : i32
      %scan3A_14 = arith.constant 128 : i32
      %scan3A_15 = arith.addi %scan3A, %scan3A_14 : i32
      %scan3A_16 = arith.constant 1 : i32
      %scan3A_17:2 = scf.for %scan3A_21 = %scan3A to %scan3A_15 step %scan3A_16 iter_args(%scan3A_22 = %broadcast_in_dim3A_0, %scan3A_23 = %broadcast_in_dim3A_0) -> (vector<16xf32>, vector<16xf32>)  : i32 {
        %sub3A = arith.constant 127 : i32
        %sub3A_24 = arith.subi %sub3A, %scan3A_21 : i32
        "tpu.region"() ({
          %run_scoped3A = tpu.sem_alloc : memref<!tpu.dma_semaphore, #tpu.memory_space<semaphore_mem>>
          %dma_start3A = arith.constant 0 : i32
          %dma_start3A_375 = arith.constant 0 : i32
          %dma_start3A_376 = tpu.memref_slice %arg2[%sub3A_24, %dma_start3A, %dma_start3A_375] : memref<128x32x16xf32, #tpu.memory_space<hbm>> -> memref<1x32x16xf32, #tpu.memory_space<hbm>>
          %dma_start3A_377 = tpu.memref_squeeze %dma_start3A_376 : memref<1x32x16xf32, #tpu.memory_space<hbm>> -> memref<32x16xf32, #tpu.memory_space<hbm>>
          %dma_start3A_378 = arith.constant 0 : i32
          %dma_start3A_379 = arith.constant 0 : i32
          %dma_start3A_380 = tpu.memref_slice %arg2[%sub3A_24, %dma_start3A_378, %dma_start3A_379] : memref<128x32x16xf32, #tpu.memory_space<hbm>> -> memref<1x32x16xf32, #tpu.memory_space<hbm>>
          %dma_start3A_381 = tpu.memref_squeeze %dma_start3A_380 : memref<1x32x16xf32, #tpu.memory_space<hbm>> -> memref<32x16xf32, #tpu.memory_space<hbm>>
          tpu.enqueue_dma source(%dma_start3A_381 : memref<32x16xf32, #tpu.memory_space<hbm>>) target(%arg6 : memref<32x16xf32, #tpu.memory_space<vmem>>) target_semaphore(%run_scoped3A : memref<!tpu.dma_semaphore, #tpu.memory_space<semaphore_mem>>)
          %dma_wait3A = arith.constant 0 : i32
          %dma_wait3A_382 = arith.constant 0 : i32
          %dma_wait3A_383 = tpu.memref_slice %arg2[%sub3A_24, %dma_wait3A, %dma_wait3A_382] : memref<128x32x16xf32, #tpu.memory_space<hbm>> -> memref<1x32x16xf32, #tpu.memory_space<hbm>>
          %dma_wait3A_384 = tpu.memref_squeeze %dma_wait3A_383 : memref<1x32x16xf32, #tpu.memory_space<hbm>> -> memref<32x16xf32, #tpu.memory_space<hbm>>
          %dma_wait3A_385 = arith.constant 0 : i32
          %dma_wait3A_386 = arith.constant 0 : i32
          %dma_wait3A_387 = tpu.memref_slice %arg2[%sub3A_24, %dma_wait3A_385, %dma_wait3A_386] : memref<128x32x16xf32, #tpu.memory_space<hbm>> -> memref<1x32x16xf32, #tpu.memory_space<hbm>>
          %dma_wait3A_388 = tpu.memref_squeeze %dma_wait3A_387 : memref<1x32x16xf32, #tpu.memory_space<hbm>> -> memref<32x16xf32, #tpu.memory_space<hbm>>
          tpu.wait_dma2 semaphore(%run_scoped3A : memref<!tpu.dma_semaphore, #tpu.memory_space<semaphore_mem>>) src(%dma_wait3A_388 : memref<32x16xf32, #tpu.memory_space<hbm>>) dst(%arg6 : memref<32x16xf32, #tpu.memory_space<vmem>>)
          tpu.yield
        }) : () -> ()
        "tpu.region"() ({
          %run_scoped3A = tpu.sem_alloc : memref<!tpu.dma_semaphore, #tpu.memory_space<semaphore_mem>>
          %dma_start3A = arith.constant 0 : i32
          %dma_start3A_375 = arith.constant 0 : i32
          %dma_start3A_376 = tpu.memref_slice %arg3[%sub3A_24, %dma_start3A, %dma_start3A_375] : memref<128x32x16xf32, #tpu.memory_space<hbm>> -> memref<1x32x16xf32, #tpu.memory_space<hbm>>
          %dma_start3A_377 = tpu.memref_squeeze %dma_start3A_376 : memref<1x32x16xf32, #tpu.memory_space<hbm>> -> memref<32x16xf32, #tpu.memory_space<hbm>>
          %dma_start3A_378 = arith.constant 0 : i32
          %dma_start3A_379 = arith.constant 0 : i32
          %dma_start3A_380 = tpu.memref_slice %arg3[%sub3A_24, %dma_start3A_378, %dma_start3A_379] : memref<128x32x16xf32, #tpu.memory_space<hbm>> -> memref<1x32x16xf32, #tpu.memory_space<hbm>>
          %dma_start3A_381 = tpu.memref_squeeze %dma_start3A_380 : memref<1x32x16xf32, #tpu.memory_space<hbm>> -> memref<32x16xf32, #tpu.memory_space<hbm>>
          tpu.enqueue_dma source(%dma_start3A_381 : memref<32x16xf32, #tpu.memory_space<hbm>>) target(%arg7 : memref<32x16xf32, #tpu.memory_space<vmem>>) target_semaphore(%run_scoped3A : memref<!tpu.dma_semaphore, #tpu.memory_space<semaphore_mem>>)
          %dma_wait3A = arith.constant 0 : i32
          %dma_wait3A_382 = arith.constant 0 : i32
          %dma_wait3A_383 = tpu.memref_slice %arg3[%sub3A_24, %dma_wait3A, %dma_wait3A_382] : memref<128x32x16xf32, #tpu.memory_space<hbm>> -> memref<1x32x16xf32, #tpu.memory_space<hbm>>
          %dma_wait3A_384 = tpu.memref_squeeze %dma_wait3A_383 : memref<1x32x16xf32, #tpu.memory_space<hbm>> -> memref<32x16xf32, #tpu.memory_space<hbm>>
          %dma_wait3A_385 = arith.constant 0 : i32
          %dma_wait3A_386 = arith.constant 0 : i32
          %dma_wait3A_387 = tpu.memref_slice %arg3[%sub3A_24, %dma_wait3A_385, %dma_wait3A_386] : memref<128x32x16xf32, #tpu.memory_space<hbm>> -> memref<1x32x16xf32, #tpu.memory_space<hbm>>
          %dma_wait3A_388 = tpu.memref_squeeze %dma_wait3A_387 : memref<1x32x16xf32, #tpu.memory_space<hbm>> -> memref<32x16xf32, #tpu.memory_space<hbm>>
          tpu.wait_dma2 semaphore(%run_scoped3A : memref<!tpu.dma_semaphore, #tpu.memory_space<semaphore_mem>>) src(%dma_wait3A_388 : memref<32x16xf32, #tpu.memory_space<hbm>>) dst(%arg7 : memref<32x16xf32, #tpu.memory_space<vmem>>)
          tpu.yield
        }) : () -> ()
        %get3A_25 = arith.constant 0 : i32
        %get3A_26 = arith.index_cast %get3A_25 : i32 to index
        %get3A_27 = arith.constant 0 : index
        %get3A_28 = tpu.vector_load %arg6[%get3A_26, %get3A_27] {strides = array<i32>} : memref<32x16xf32, #tpu.memory_space<vmem>>, vector<16xf32>,
        %add3A_29 = arith.addf %broadcast_in_dim3A_0, %get3A_28 : vector<16xf32>
        %get3A_30 = arith.constant 0 : i32
        %get3A_31 = arith.index_cast %get3A_30 : i32 to index
        %get3A_32 = arith.constant 0 : index
        %get3A_33 = tpu.vector_load %arg7[%get3A_31, %get3A_32] {strides = array<i32>} : memref<32x16xf32, #tpu.memory_space<vmem>>, vector<16xf32>,
        %add3A_34 = arith.addf %broadcast_in_dim3A_0, %get3A_33 : vector<16xf32>
        %get3A_35 = arith.constant 1 : i32
        %get3A_36 = arith.index_cast %get3A_35 : i32 to index
        %get3A_37 = arith.constant 0 : index
        %get3A_38 = tpu.vector_load %arg6[%get3A_36, %get3A_37] {strides = array<i32>} : memref<32x16xf32, #tpu.memory_space<vmem>>, vector<16xf32>,
        %add3A_39 = arith.addf %add3A_29, %get3A_38 : vector<16xf32>
        %get3A_40 = arith.constant 1 : i32
        %get3A_41 = arith.index_cast %get3A_40 : i32 to index
        %get3A_42 = arith.constant 0 : index
        %get3A_43 = tpu.vector_load %arg7[%get3A_41, %get3A_42] {strides = array<i32>} : memref<32x16xf32, #tpu.memory_space<vmem>>, vector<16xf32>,
        %add3A_44 = arith.addf %add3A_34, %get3A_43 : vector<16xf32>
        %get3A_45 = arith.constant 2 : i32
        %get3A_46 = arith.index_cast %get3A_45 : i32 to index
        %get3A_47 = arith.constant 0 : index
        %get3A_48 = tpu.vector_load %arg6[%get3A_46, %get3A_47] {strides = array<i32>} : memref<32x16xf32, #tpu.memory_space<vmem>>, vector<16xf32>,
        %add3A_49 = arith.addf %add3A_39, %get3A_48 : vector<16xf32>
        %get3A_50 = arith.constant 2 : i32
        %get3A_51 = arith.index_cast %get3A_50 : i32 to index
        %get3A_52 = arith.constant 0 : index
        %get3A_53 = tpu.vector_load %arg7[%get3A_51, %get3A_52] {strides = array<i32>} : memref<32x16xf32, #tpu.memory_space<vmem>>, vector<16xf32>,
        %add3A_54 = arith.addf %add3A_44, %get3A_53 : vector<16xf32>
        %get3A_55 = arith.constant 3 : i32
        %get3A_56 = arith.index_cast %get3A_55 : i32 to index
        %get3A_57 = arith.constant 0 : index
        %get3A_58 = tpu.vector_load %arg6[%get3A_56, %get3A_57] {strides = array<i32>} : memref<32x16xf32, #tpu.memory_space<vmem>>, vector<16xf32>,
        %add3A_59 = arith.addf %add3A_49, %get3A_58 : vector<16xf32>
        %get3A_60 = arith.constant 3 : i32
        %get3A_61 = arith.index_cast %get3A_60 : i32 to index
        %get3A_62 = arith.constant 0 : index
        %get3A_63 = tpu.vector_load %arg7[%get3A_61, %get3A_62] {strides = array<i32>} : memref<32x16xf32, #tpu.memory_space<vmem>>, vector<16xf32>,
        %add3A_64 = arith.addf %add3A_54, %get3A_63 : vector<16xf32>
        %get3A_65 = arith.constant 4 : i32
        %get3A_66 = arith.index_cast %get3A_65 : i32 to index
        %get3A_67 = arith.constant 0 : index
        %get3A_68 = tpu.vector_load %arg6[%get3A_66, %get3A_67] {strides = array<i32>} : memref<32x16xf32, #tpu.memory_space<vmem>>, vector<16xf32>,
        %add3A_69 = arith.addf %add3A_59, %get3A_68 : vector<16xf32>
        %get3A_70 = arith.constant 4 : i32
        %get3A_71 = arith.index_cast %get3A_70 : i32 to index
        %get3A_72 = arith.constant 0 : index
        %get3A_73 = tpu.vector_load %arg7[%get3A_71, %get3A_72] {strides = array<i32>} : memref<32x16xf32, #tpu.memory_space<vmem>>, vector<16xf32>,
        %add3A_74 = arith.addf %add3A_64, %get3A_73 : vector<16xf32>
        %get3A_75 = arith.constant 5 : i32
        %get3A_76 = arith.index_cast %get3A_75 : i32 to index
        %get3A_77 = arith.constant 0 : index
        %get3A_78 = tpu.vector_load %arg6[%get3A_76, %get3A_77] {strides = array<i32>} : memref<32x16xf32, #tpu.memory_space<vmem>>, vector<16xf32>,
        %add3A_79 = arith.addf %add3A_69, %get3A_78 : vector<16xf32>
        %get3A_80 = arith.constant 5 : i32
        %get3A_81 = arith.index_cast %get3A_80 : i32 to index
        %get3A_82 = arith.constant 0 : index
        %get3A_83 = tpu.vector_load %arg7[%get3A_81, %get3A_82] {strides = array<i32>} : memref<32x16xf32, #tpu.memory_space<vmem>>, vector<16xf32>,
        %add3A_84 = arith.addf %add3A_74, %get3A_83 : vector<16xf32>
        %get3A_85 = arith.constant 6 : i32
        %get3A_86 = arith.index_cast %get3A_85 : i32 to index
        %get3A_87 = arith.constant 0 : index
        %get3A_88 = tpu.vector_load %arg6[%get3A_86, %get3A_87] {strides = array<i32>} : memref<32x16xf32, #tpu.memory_space<vmem>>, vector<16xf32>,
        %add3A_89 = arith.addf %add3A_79, %get3A_88 : vector<16xf32>
        %get3A_90 = arith.constant 6 : i32
        %get3A_91 = arith.index_cast %get3A_90 : i32 to index
        %get3A_92 = arith.constant 0 : index
        %get3A_93 = tpu.vector_load %arg7[%get3A_91, %get3A_92] {strides = array<i32>} : memref<32x16xf32, #tpu.memory_space<vmem>>, vector<16xf32>,
        %add3A_94 = arith.addf %add3A_84, %get3A_93 : vector<16xf32>
        %get3A_95 = arith.constant 7 : i32
        %get3A_96 = arith.index_cast %get3A_95 : i32 to index
        %get3A_97 = arith.constant 0 : index
        %get3A_98 = tpu.vector_load %arg6[%get3A_96, %get3A_97] {strides = array<i32>} : memref<32x16xf32, #tpu.memory_space<vmem>>, vector<16xf32>,
        %add3A_99 = arith.addf %add3A_89, %get3A_98 : vector<16xf32>
        %get3A_100 = arith.constant 7 : i32
        %get3A_101 = arith.index_cast %get3A_100 : i32 to index
        %get3A_102 = arith.constant 0 : index
        %get3A_103 = tpu.vector_load %arg7[%get3A_101, %get3A_102] {strides = array<i32>} : memref<32x16xf32, #tpu.memory_space<vmem>>, vector<16xf32>,
        %add3A_104 = arith.addf %add3A_94, %get3A_103 : vector<16xf32>
        %get3A_105 = arith.constant 8 : i32
        %get3A_106 = arith.index_cast %get3A_105 : i32 to index
        %get3A_107 = arith.constant 0 : index
        %get3A_108 = tpu.vector_load %arg6[%get3A_106, %get3A_107] {strides = array<i32>} : memref<32x16xf32, #tpu.memory_space<vmem>>, vector<16xf32>,
        %add3A_109 = arith.addf %add3A_99, %get3A_108 : vector<16xf32>
        %get3A_110 = arith.constant 8 : i32
        %get3A_111 = arith.index_cast %get3A_110 : i32 to index
        %get3A_112 = arith.constant 0 : index
        %get3A_113 = tpu.vector_load %arg7[%get3A_111, %get3A_112] {strides = array<i32>} : memref<32x16xf32, #tpu.memory_space<vmem>>, vector<16xf32>,
        %add3A_114 = arith.addf %add3A_104, %get3A_113 : vector<16xf32>
        %get3A_115 = arith.constant 9 : i32
        %get3A_116 = arith.index_cast %get3A_115 : i32 to index
        %get3A_117 = arith.constant 0 : index
        %get3A_118 = tpu.vector_load %arg6[%get3A_116, %get3A_117] {strides = array<i32>} : memref<32x16xf32, #tpu.memory_space<vmem>>, vector<16xf32>,
        %add3A_119 = arith.addf %add3A_109, %get3A_118 : vector<16xf32>
        %get3A_120 = arith.constant 9 : i32
        %get3A_121 = arith.index_cast %get3A_120 : i32 to index
        %get3A_122 = arith.constant 0 : index
        %get3A_123 = tpu.vector_load %arg7[%get3A_121, %get3A_122] {strides = array<i32>} : memref<32x16xf32, #tpu.memory_space<vmem>>, vector<16xf32>,
        %add3A_124 = arith.addf %add3A_114, %get3A_123 : vector<16xf32>
        %get3A_125 = arith.constant 10 : i32
        %get3A_126 = arith.index_cast %get3A_125 : i32 to index
        %get3A_127 = arith.constant 0 : index
        %get3A_128 = tpu.vector_load %arg6[%get3A_126, %get3A_127] {strides = array<i32>} : memref<32x16xf32, #tpu.memory_space<vmem>>, vector<16xf32>,
        %add3A_129 = arith.addf %add3A_119, %get3A_128 : vector<16xf32>
        %get3A_130 = arith.constant 10 : i32
        %get3A_131 = arith.index_cast %get3A_130 : i32 to index
        %get3A_132 = arith.constant 0 : index
        %get3A_133 = tpu.vector_load %arg7[%get3A_131, %get3A_132] {strides = array<i32>} : memref<32x16xf32, #tpu.memory_space<vmem>>, vector<16xf32>,
        %add3A_134 = arith.addf %add3A_124, %get3A_133 : vector<16xf32>
        %get3A_135 = arith.constant 11 : i32
        %get3A_136 = arith.index_cast %get3A_135 : i32 to index
        %get3A_137 = arith.constant 0 : index
        %get3A_138 = tpu.vector_load %arg6[%get3A_136, %get3A_137] {strides = array<i32>} : memref<32x16xf32, #tpu.memory_space<vmem>>, vector<16xf32>,
        %add3A_139 = arith.addf %add3A_129, %get3A_138 : vector<16xf32>
        %get3A_140 = arith.constant 11 : i32
        %get3A_141 = arith.index_cast %get3A_140 : i32 to index
        %get3A_142 = arith.constant 0 : index
        %get3A_143 = tpu.vector_load %arg7[%get3A_141, %get3A_142] {strides = array<i32>} : memref<32x16xf32, #tpu.memory_space<vmem>>, vector<16xf32>,
        %add3A_144 = arith.addf %add3A_134, %get3A_143 : vector<16xf32>
        %get3A_145 = arith.constant 12 : i32
        %get3A_146 = arith.index_cast %get3A_145 : i32 to index
        %get3A_147 = arith.constant 0 : index
        %get3A_148 = tpu.vector_load %arg6[%get3A_146, %get3A_147] {strides = array<i32>} : memref<32x16xf32, #tpu.memory_space<vmem>>, vector<16xf32>,
        %add3A_149 = arith.addf %add3A_139, %get3A_148 : vector<16xf32>
        %get3A_150 = arith.constant 12 : i32
        %get3A_151 = arith.index_cast %get3A_150 : i32 to index
        %get3A_152 = arith.constant 0 : index
        %get3A_153 = tpu.vector_load %arg7[%get3A_151, %get3A_152] {strides = array<i32>} : memref<32x16xf32, #tpu.memory_space<vmem>>, vector<16xf32>,
        %add3A_154 = arith.addf %add3A_144, %get3A_153 : vector<16xf32>
        %get3A_155 = arith.constant 13 : i32
        %get3A_156 = arith.index_cast %get3A_155 : i32 to index
        %get3A_157 = arith.constant 0 : index
        %get3A_158 = tpu.vector_load %arg6[%get3A_156, %get3A_157] {strides = array<i32>} : memref<32x16xf32, #tpu.memory_space<vmem>>, vector<16xf32>,
        %add3A_159 = arith.addf %add3A_149, %get3A_158 : vector<16xf32>
        %get3A_160 = arith.constant 13 : i32
        %get3A_161 = arith.index_cast %get3A_160 : i32 to index
        %get3A_162 = arith.constant 0 : index
        %get3A_163 = tpu.vector_load %arg7[%get3A_161, %get3A_162] {strides = array<i32>} : memref<32x16xf32, #tpu.memory_space<vmem>>, vector<16xf32>,
        %add3A_164 = arith.addf %add3A_154, %get3A_163 : vector<16xf32>
        %get3A_165 = arith.constant 14 : i32
        %get3A_166 = arith.index_cast %get3A_165 : i32 to index
        %get3A_167 = arith.constant 0 : index
        %get3A_168 = tpu.vector_load %arg6[%get3A_166, %get3A_167] {strides = array<i32>} : memref<32x16xf32, #tpu.memory_space<vmem>>, vector<16xf32>,
        %add3A_169 = arith.addf %add3A_159, %get3A_168 : vector<16xf32>
        %get3A_170 = arith.constant 14 : i32
        %get3A_171 = arith.index_cast %get3A_170 : i32 to index
        %get3A_172 = arith.constant 0 : index
        %get3A_173 = tpu.vector_load %arg7[%get3A_171, %get3A_172] {strides = array<i32>} : memref<32x16xf32, #tpu.memory_space<vmem>>, vector<16xf32>,
        %add3A_174 = arith.addf %add3A_164, %get3A_173 : vector<16xf32>
        %get3A_175 = arith.constant 15 : i32
        %get3A_176 = arith.index_cast %get3A_175 : i32 to index
        %get3A_177 = arith.constant 0 : index
        %get3A_178 = tpu.vector_load %arg6[%get3A_176, %get3A_177] {strides = array<i32>} : memref<32x16xf32, #tpu.memory_space<vmem>>, vector<16xf32>,
        %add3A_179 = arith.addf %add3A_169, %get3A_178 : vector<16xf32>
        %get3A_180 = arith.constant 15 : i32
        %get3A_181 = arith.index_cast %get3A_180 : i32 to index
        %get3A_182 = arith.constant 0 : index
        %get3A_183 = tpu.vector_load %arg7[%get3A_181, %get3A_182] {strides = array<i32>} : memref<32x16xf32, #tpu.memory_space<vmem>>, vector<16xf32>,
        %add3A_184 = arith.addf %add3A_174, %get3A_183 : vector<16xf32>
        %get3A_185 = arith.constant 16 : i32
        %get3A_186 = arith.index_cast %get3A_185 : i32 to index
        %get3A_187 = arith.constant 0 : index
        %get3A_188 = tpu.vector_load %arg6[%get3A_186, %get3A_187] {strides = array<i32>} : memref<32x16xf32, #tpu.memory_space<vmem>>, vector<16xf32>,
        %add3A_189 = arith.addf %add3A_179, %get3A_188 : vector<16xf32>
        %get3A_190 = arith.constant 16 : i32
        %get3A_191 = arith.index_cast %get3A_190 : i32 to index
        %get3A_192 = arith.constant 0 : index
        %get3A_193 = tpu.vector_load %arg7[%get3A_191, %get3A_192] {strides = array<i32>} : memref<32x16xf32, #tpu.memory_space<vmem>>, vector<16xf32>,
        %add3A_194 = arith.addf %add3A_184, %get3A_193 : vector<16xf32>
        %get3A_195 = arith.constant 17 : i32
        %get3A_196 = arith.index_cast %get3A_195 : i32 to index
        %get3A_197 = arith.constant 0 : index
        %get3A_198 = tpu.vector_load %arg6[%get3A_196, %get3A_197] {strides = array<i32>} : memref<32x16xf32, #tpu.memory_space<vmem>>, vector<16xf32>,
        %add3A_199 = arith.addf %add3A_189, %get3A_198 : vector<16xf32>
        %get3A_200 = arith.constant 17 : i32
        %get3A_201 = arith.index_cast %get3A_200 : i32 to index
        %get3A_202 = arith.constant 0 : index
        %get3A_203 = tpu.vector_load %arg7[%get3A_201, %get3A_202] {strides = array<i32>} : memref<32x16xf32, #tpu.memory_space<vmem>>, vector<16xf32>,
        %add3A_204 = arith.addf %add3A_194, %get3A_203 : vector<16xf32>
        %get3A_205 = arith.constant 18 : i32
        %get3A_206 = arith.index_cast %get3A_205 : i32 to index
        %get3A_207 = arith.constant 0 : index
        %get3A_208 = tpu.vector_load %arg6[%get3A_206, %get3A_207] {strides = array<i32>} : memref<32x16xf32, #tpu.memory_space<vmem>>, vector<16xf32>,
        %add3A_209 = arith.addf %add3A_199, %get3A_208 : vector<16xf32>
        %get3A_210 = arith.constant 18 : i32
        %get3A_211 = arith.index_cast %get3A_210 : i32 to index
        %get3A_212 = arith.constant 0 : index
        %get3A_213 = tpu.vector_load %arg7[%get3A_211, %get3A_212] {strides = array<i32>} : memref<32x16xf32, #tpu.memory_space<vmem>>, vector<16xf32>,
        %add3A_214 = arith.addf %add3A_204, %get3A_213 : vector<16xf32>
        %get3A_215 = arith.constant 19 : i32
        %get3A_216 = arith.index_cast %get3A_215 : i32 to index
        %get3A_217 = arith.constant 0 : index
        %get3A_218 = tpu.vector_load %arg6[%get3A_216, %get3A_217] {strides = array<i32>} : memref<32x16xf32, #tpu.memory_space<vmem>>, vector<16xf32>,
        %add3A_219 = arith.addf %add3A_209, %get3A_218 : vector<16xf32>
        %get3A_220 = arith.constant 19 : i32
        %get3A_221 = arith.index_cast %get3A_220 : i32 to index
        %get3A_222 = arith.constant 0 : index
        %get3A_223 = tpu.vector_load %arg7[%get3A_221, %get3A_222] {strides = array<i32>} : memref<32x16xf32, #tpu.memory_space<vmem>>, vector<16xf32>,
        %add3A_224 = arith.addf %add3A_214, %get3A_223 : vector<16xf32>
        %get3A_225 = arith.constant 20 : i32
        %get3A_226 = arith.index_cast %get3A_225 : i32 to index
        %get3A_227 = arith.constant 0 : index
        %get3A_228 = tpu.vector_load %arg6[%get3A_226, %get3A_227] {strides = array<i32>} : memref<32x16xf32, #tpu.memory_space<vmem>>, vector<16xf32>,
        %add3A_229 = arith.addf %add3A_219, %get3A_228 : vector<16xf32>
        %get3A_230 = arith.constant 20 : i32
        %get3A_231 = arith.index_cast %get3A_230 : i32 to index
        %get3A_232 = arith.constant 0 : index
        %get3A_233 = tpu.vector_load %arg7[%get3A_231, %get3A_232] {strides = array<i32>} : memref<32x16xf32, #tpu.memory_space<vmem>>, vector<16xf32>,
        %add3A_234 = arith.addf %add3A_224, %get3A_233 : vector<16xf32>
        %get3A_235 = arith.constant 21 : i32
        %get3A_236 = arith.index_cast %get3A_235 : i32 to index
        %get3A_237 = arith.constant 0 : index
        %get3A_238 = tpu.vector_load %arg6[%get3A_236, %get3A_237] {strides = array<i32>} : memref<32x16xf32, #tpu.memory_space<vmem>>, vector<16xf32>,
        %add3A_239 = arith.addf %add3A_229, %get3A_238 : vector<16xf32>
        %get3A_240 = arith.constant 21 : i32
        %get3A_241 = arith.index_cast %get3A_240 : i32 to index
        %get3A_242 = arith.constant 0 : index
        %get3A_243 = tpu.vector_load %arg7[%get3A_241, %get3A_242] {strides = array<i32>} : memref<32x16xf32, #tpu.memory_space<vmem>>, vector<16xf32>,
        %add3A_244 = arith.addf %add3A_234, %get3A_243 : vector<16xf32>
        %get3A_245 = arith.constant 22 : i32
        %get3A_246 = arith.index_cast %get3A_245 : i32 to index
        %get3A_247 = arith.constant 0 : index
        %get3A_248 = tpu.vector_load %arg6[%get3A_246, %get3A_247] {strides = array<i32>} : memref<32x16xf32, #tpu.memory_space<vmem>>, vector<16xf32>,
        %add3A_249 = arith.addf %add3A_239, %get3A_248 : vector<16xf32>
        %get3A_250 = arith.constant 22 : i32
        %get3A_251 = arith.index_cast %get3A_250 : i32 to index
        %get3A_252 = arith.constant 0 : index
        %get3A_253 = tpu.vector_load %arg7[%get3A_251, %get3A_252] {strides = array<i32>} : memref<32x16xf32, #tpu.memory_space<vmem>>, vector<16xf32>,
        %add3A_254 = arith.addf %add3A_244, %get3A_253 : vector<16xf32>
        %get3A_255 = arith.constant 23 : i32
        %get3A_256 = arith.index_cast %get3A_255 : i32 to index
        %get3A_257 = arith.constant 0 : index
        %get3A_258 = tpu.vector_load %arg6[%get3A_256, %get3A_257] {strides = array<i32>} : memref<32x16xf32, #tpu.memory_space<vmem>>, vector<16xf32>,
        %add3A_259 = arith.addf %add3A_249, %get3A_258 : vector<16xf32>
        %get3A_260 = arith.constant 23 : i32
        %get3A_261 = arith.index_cast %get3A_260 : i32 to index
        %get3A_262 = arith.constant 0 : index
        %get3A_263 = tpu.vector_load %arg7[%get3A_261, %get3A_262] {strides = array<i32>} : memref<32x16xf32, #tpu.memory_space<vmem>>, vector<16xf32>,
        %add3A_264 = arith.addf %add3A_254, %get3A_263 : vector<16xf32>
        %get3A_265 = arith.constant 24 : i32
        %get3A_266 = arith.index_cast %get3A_265 : i32 to index
        %get3A_267 = arith.constant 0 : index
        %get3A_268 = tpu.vector_load %arg6[%get3A_266, %get3A_267] {strides = array<i32>} : memref<32x16xf32, #tpu.memory_space<vmem>>, vector<16xf32>,
        %add3A_269 = arith.addf %add3A_259, %get3A_268 : vector<16xf32>
        %get3A_270 = arith.constant 24 : i32
        %get3A_271 = arith.index_cast %get3A_270 : i32 to index
        %get3A_272 = arith.constant 0 : index
        %get3A_273 = tpu.vector_load %arg7[%get3A_271, %get3A_272] {strides = array<i32>} : memref<32x16xf32, #tpu.memory_space<vmem>>, vector<16xf32>,
        %add3A_274 = arith.addf %add3A_264, %get3A_273 : vector<16xf32>
        %get3A_275 = arith.constant 25 : i32
        %get3A_276 = arith.index_cast %get3A_275 : i32 to index
        %get3A_277 = arith.constant 0 : index
        %get3A_278 = tpu.vector_load %arg6[%get3A_276, %get3A_277] {strides = array<i32>} : memref<32x16xf32, #tpu.memory_space<vmem>>, vector<16xf32>,
        %add3A_279 = arith.addf %add3A_269, %get3A_278 : vector<16xf32>
        %get3A_280 = arith.constant 25 : i32
        %get3A_281 = arith.index_cast %get3A_280 : i32 to index
        %get3A_282 = arith.constant 0 : index
        %get3A_283 = tpu.vector_load %arg7[%get3A_281, %get3A_282] {strides = array<i32>} : memref<32x16xf32, #tpu.memory_space<vmem>>, vector<16xf32>,
        %add3A_284 = arith.addf %add3A_274, %get3A_283 : vector<16xf32>
        %get3A_285 = arith.constant 26 : i32
        %get3A_286 = arith.index_cast %get3A_285 : i32 to index
        %get3A_287 = arith.constant 0 : index
        %get3A_288 = tpu.vector_load %arg6[%get3A_286, %get3A_287] {strides = array<i32>} : memref<32x16xf32, #tpu.memory_space<vmem>>, vector<16xf32>,
        %add3A_289 = arith.addf %add3A_279, %get3A_288 : vector<16xf32>
        %get3A_290 = arith.constant 26 : i32
        %get3A_291 = arith.index_cast %get3A_290 : i32 to index
        %get3A_292 = arith.constant 0 : index
        %get3A_293 = tpu.vector_load %arg7[%get3A_291, %get3A_292] {strides = array<i32>} : memref<32x16xf32, #tpu.memory_space<vmem>>, vector<16xf32>,
        %add3A_294 = arith.addf %add3A_284, %get3A_293 : vector<16xf32>
        %get3A_295 = arith.constant 27 : i32
        %get3A_296 = arith.index_cast %get3A_295 : i32 to index
        %get3A_297 = arith.constant 0 : index
        %get3A_298 = tpu.vector_load %arg6[%get3A_296, %get3A_297] {strides = array<i32>} : memref<32x16xf32, #tpu.memory_space<vmem>>, vector<16xf32>,
        %add3A_299 = arith.addf %add3A_289, %get3A_298 : vector<16xf32>
        %get3A_300 = arith.constant 27 : i32
        %get3A_301 = arith.index_cast %get3A_300 : i32 to index
        %get3A_302 = arith.constant 0 : index
        %get3A_303 = tpu.vector_load %arg7[%get3A_301, %get3A_302] {strides = array<i32>} : memref<32x16xf32, #tpu.memory_space<vmem>>, vector<16xf32>,
        %add3A_304 = arith.addf %add3A_294, %get3A_303 : vector<16xf32>
        %get3A_305 = arith.constant 28 : i32
        %get3A_306 = arith.index_cast %get3A_305 : i32 to index
        %get3A_307 = arith.constant 0 : index
        %get3A_308 = tpu.vector_load %arg6[%get3A_306, %get3A_307] {strides = array<i32>} : memref<32x16xf32, #tpu.memory_space<vmem>>, vector<16xf32>,
        %add3A_309 = arith.addf %add3A_299, %get3A_308 : vector<16xf32>
        %get3A_310 = arith.constant 28 : i32
        %get3A_311 = arith.index_cast %get3A_310 : i32 to index
        %get3A_312 = arith.constant 0 : index
        %get3A_313 = tpu.vector_load %arg7[%get3A_311, %get3A_312] {strides = array<i32>} : memref<32x16xf32, #tpu.memory_space<vmem>>, vector<16xf32>,
        %add3A_314 = arith.addf %add3A_304, %get3A_313 : vector<16xf32>
        %get3A_315 = arith.constant 29 : i32
        %get3A_316 = arith.index_cast %get3A_315 : i32 to index
        %get3A_317 = arith.constant 0 : index
        %get3A_318 = tpu.vector_load %arg6[%get3A_316, %get3A_317] {strides = array<i32>} : memref<32x16xf32, #tpu.memory_space<vmem>>, vector<16xf32>,
        %add3A_319 = arith.addf %add3A_309, %get3A_318 : vector<16xf32>
        %get3A_320 = arith.constant 29 : i32
        %get3A_321 = arith.index_cast %get3A_320 : i32 to index
        %get3A_322 = arith.constant 0 : index
        %get3A_323 = tpu.vector_load %arg7[%get3A_321, %get3A_322] {strides = array<i32>} : memref<32x16xf32, #tpu.memory_space<vmem>>, vector<16xf32>,
        %add3A_324 = arith.addf %add3A_314, %get3A_323 : vector<16xf32>
        %get3A_325 = arith.constant 30 : i32
        %get3A_326 = arith.index_cast %get3A_325 : i32 to index
        %get3A_327 = arith.constant 0 : index
        %get3A_328 = tpu.vector_load %arg6[%get3A_326, %get3A_327] {strides = array<i32>} : memref<32x16xf32, #tpu.memory_space<vmem>>, vector<16xf32>,
        %add3A_329 = arith.addf %add3A_319, %get3A_328 : vector<16xf32>
        %get3A_330 = arith.constant 30 : i32
        %get3A_331 = arith.index_cast %get3A_330 : i32 to index
        %get3A_332 = arith.constant 0 : index
        %get3A_333 = tpu.vector_load %arg7[%get3A_331, %get3A_332] {strides = array<i32>} : memref<32x16xf32, #tpu.memory_space<vmem>>, vector<16xf32>,
        %add3A_334 = arith.addf %add3A_324, %get3A_333 : vector<16xf32>
        %get3A_335 = arith.constant 31 : i32
        %get3A_336 = arith.index_cast %get3A_335 : i32 to index
        %get3A_337 = arith.constant 0 : index
        %get3A_338 = tpu.vector_load %arg6[%get3A_336, %get3A_337] {strides = array<i32>} : memref<32x16xf32, #tpu.memory_space<vmem>>, vector<16xf32>,
        %add3A_339 = arith.addf %add3A_329, %get3A_338 : vector<16xf32>
        %get3A_340 = arith.constant 31 : i32
        %get3A_341 = arith.index_cast %get3A_340 : i32 to index
        %get3A_342 = arith.constant 0 : index
        %get3A_343 = tpu.vector_load %arg7[%get3A_341, %get3A_342] {strides = array<i32>} : memref<32x16xf32, #tpu.memory_space<vmem>>, vector<16xf32>,
        %add3A_344 = arith.addf %add3A_334, %get3A_343 : vector<16xf32>
        %rev3A = arith.constant 15 : i32
        %rev3A_345 = vector.broadcast %rev3A : i32 to vector<16xi32>
        %rev3A_346 = tpu.iota {dimensions = array<i32: 0>} : vector<16xi32>
        %rev3A_347 = arith.subi %rev3A_345, %rev3A_346 : vector<16xi32>
        %rev3A_348 = tpu.dynamic_gather %add3A_339[%rev3A_347] in [0] : vector<16xf32>, vector<16xi32> -> vector<16xf32>
        %rev3A_349 = arith.constant 15 : i32
        %rev3A_350 = vector.broadcast %rev3A_349 : i32 to vector<16xi32>
        %rev3A_351 = tpu.iota {dimensions = array<i32: 0>} : vector<16xi32>
        %rev3A_352 = arith.subi %rev3A_350, %rev3A_351 : vector<16xi32>
        %rev3A_353 = tpu.dynamic_gather %add3A_344[%rev3A_352] in [0] : vector<16xf32>, vector<16xi32> -> vector<16xf32>
        %cumsum3A = arith.constant true
        %cumsum3A_354 = vector.broadcast %cumsum3A : i1 to vector<16xi1>
        %cumsum3A_355 = tpu.scan <sum>, %rev3A_348 masked %cumsum3A_354 : vector<16xf32>, vector<16xi1> -> vector<16xf32>
        %sub3A_356 = arith.subf %cumsum3A_355, %rev3A_348 : vector<16xf32>
        %add3A_357 = arith.addf %scan3A_22, %sub3A_356 : vector<16xf32>
        %sub3A_358 = arith.subf %get3A_5, %add3A_357 : vector<16xf32>
        %jit3A = arith.constant 0.000000e+00 : f32
        %max3A = vector.broadcast %jit3A : f32 to vector<16xf32>
        %max3A_359 = arith.maximumf %max3A, %sub3A_358 : vector<16xf32>
        %min3A = arith.minimumf %rev3A_348, %max3A_359 : vector<16xf32>
        %max3A_360 = arith.constant 1.000000e+00 : f32
        %max3A_361 = vector.broadcast %max3A_360 : f32 to vector<16xf32>
        %max3A_362 = arith.maximumf %rev3A_348, %max3A_361 : vector<16xf32>
        %div3A_363 = arith.divf %rev3A_353, %max3A_362 : vector<16xf32>
        %mul3A = arith.mulf %min3A, %div3A_363 : vector<16xf32>
        %reduce_sum3A = arith.constant true
        %reduce_sum3A_364 = vector.broadcast %reduce_sum3A : i1 to vector<16xi1>
        %reduce_sum3A_365 = tpu.scan <sum>, %mul3A masked %reduce_sum3A_364 : vector<16xf32>, vector<16xi1> -> vector<16xf32>
        %reduce_sum3A_366 = vector.extract %reduce_sum3A_365[15] : f32 from vector<16xf32>
        %broadcast_in_dim3A_367 = vector.broadcast %reduce_sum3A_366 : f32 to vector<16xf32>
        %add3A_368 = arith.addf %scan3A_23, %broadcast_in_dim3A_367 : vector<16xf32>
        %reduce_sum3A_369 = arith.constant true
        %reduce_sum3A_370 = vector.broadcast %reduce_sum3A_369 : i1 to vector<16xi1>
        %reduce_sum3A_371 = tpu.scan <sum>, %rev3A_348 masked %reduce_sum3A_370 : vector<16xf32>, vector<16xi1> -> vector<16xf32>
        %reduce_sum3A_372 = vector.extract %reduce_sum3A_371[15] : f32 from vector<16xf32>
        %broadcast_in_dim3A_373 = vector.broadcast %reduce_sum3A_372 : f32 to vector<16xf32>
        %add3A_374 = arith.addf %scan3A_22, %broadcast_in_dim3A_373 : vector<16xf32>
        scf.yield %add3A_374, %add3A_368 : vector<16xf32>, vector<16xf32>
      }
      %scan3A_18 = arith.constant 128 : i32
      %div3A = arith.divf %get3A_9, %get3A_13 : vector<16xf32>
      %div3A_19 = arith.divf %scan3A_17#1, %get3A_5 : vector<16xf32>
      %add3A = arith.addf %div3A, %div3A_19 : vector<16xf32>
      %swap3A = arith.constant 0 : index
      %swap3A_20 = tpu.vector_load %arg9[%swap3A] {strides = array<i32>} : memref<16xf32, #tpu.memory_space<vmem>>, vector<16xf32>,
      tpu.vector_store %arg9[%swap3A], %add3A {strides = array<i32>} : memref<16xf32, #tpu.memory_space<vmem>>, vector<16xf32>,
      "tpu.region"() ({
        %run_scoped3A = tpu.sem_alloc : memref<!tpu.dma_semaphore, #tpu.memory_space<semaphore_mem>>
        tpu.enqueue_dma source(%arg9 : memref<16xf32, #tpu.memory_space<vmem>>) target(%arg5 : memref<16xf32, #tpu.memory_space<hbm>>) target_semaphore(%run_scoped3A : memref<!tpu.dma_semaphore, #tpu.memory_space<semaphore_mem>>)
        tpu.wait_dma2 semaphore(%run_scoped3A : memref<!tpu.dma_semaphore, #tpu.memory_space<semaphore_mem>>) src(%arg9 : memref<16xf32, #tpu.memory_space<vmem>>) dst(%arg5 : memref<16xf32, #tpu.memory_space<hbm>>)
        tpu.yield
      }) : () -> ()
    } else {
    }
    return
  }
}

#map = affine_map<(d0, d1) -> (0)>
#map1 = affine_map<(d0, d1) -> (0, 0, 0)>
module attributes {stable_mosaic.version = 14 : i64} {
  func.func @_hist(%arg0: i32, %arg1: i32, %arg2: memref<1000000xf32, #tpu.memory_space<hbm>>, %arg3: memref<1000000xf32, #tpu.memory_space<hbm>>, %arg4: memref<1000000xi32, #tpu.memory_space<hbm>>, %arg5: memref<128x32x16xf32, #tpu.memory_space<hbm>>, %arg6: memref<128x32x16xf32, #tpu.memory_space<hbm>>, %arg7: memref<4000xf32, #tpu.memory_space<vmem>>, %arg8: memref<4000xf32, #tpu.memory_space<vmem>>, %arg9: memref<4000xi32, #tpu.memory_space<vmem>>, %arg10: memref<128x16xf32, #tpu.memory_space<vmem>>, %arg11: memref<128x16xf32, #tpu.memory_space<vmem>>) attributes {dimension_semantics = [#tpu.dimension_semantics<core_parallel>, #tpu.dimension_semantics<subcore_parallel>], iteration_bounds = array<i64: 2, 16>, scalar_prefetch = 0 : i64, scratch_operands = 5 : i64, tpu.core_type = #tpu.core_type<sc_vector_subcore>, window_params = [{transform_indices = #map}, {transform_indices = #map}, {transform_indices = #map}, {transform_indices = #map1}, {transform_indices = #map1}]} {
    %mul3A = arith.constant 16 : i32
    %mul3A_0 = arith.muli %arg0, %mul3A : i32
    %add3A = arith.addi %mul3A_0, %arg1 : i32
    %broadcast_in_dim3A = arith.constant 0.000000e+00 : f32
    %broadcast_in_dim3A_1 = vector.broadcast %broadcast_in_dim3A : f32 to vector<16xf32>
    %broadcast_in_dim3A_2 = arith.constant 1.000000e+00 : f32
    %broadcast_in_dim3A_3 = vector.broadcast %broadcast_in_dim3A_2 : f32 to vector<16xf32>
    %scan3A = arith.constant 0 : i32
    %scan3A_4 = arith.constant 0 : i32
    %scan3A_5 = arith.constant 128 : i32
    %scan3A_6 = arith.addi %scan3A_4, %scan3A_5 : i32
    %scan3A_7 = arith.constant 1 : i32
    %scan3A_8 = scf.for %scan3A_30 = %scan3A_4 to %scan3A_6 step %scan3A_7 iter_args(%scan3A_31 = %scan3A) -> (i32)  : i32 {
      %swap3A = arith.index_cast %scan3A_30 : i32 to index
      %swap3A_32 = arith.constant 0 : index
      %swap3A_33 = tpu.vector_load %arg10[%swap3A, %swap3A_32] {strides = array<i32>} : memref<128x16xf32, #tpu.memory_space<vmem>>, vector<16xf32>,
      tpu.vector_store %arg10[%swap3A, %swap3A_32], %broadcast_in_dim3A_1 {strides = array<i32>} : memref<128x16xf32, #tpu.memory_space<vmem>>, vector<16xf32>,
      %swap3A_34 = arith.index_cast %scan3A_30 : i32 to index
      %swap3A_35 = arith.constant 0 : index
      %swap3A_36 = tpu.vector_load %arg11[%swap3A_34, %swap3A_35] {strides = array<i32>} : memref<128x16xf32, #tpu.memory_space<vmem>>, vector<16xf32>,
      tpu.vector_store %arg11[%swap3A_34, %swap3A_35], %broadcast_in_dim3A_1 {strides = array<i32>} : memref<128x16xf32, #tpu.memory_space<vmem>>, vector<16xf32>,
      %scan3A_37 = arith.constant 0 : i32
      scf.yield %scan3A_37 : i32
    }
    %scan3A_9 = arith.constant 128 : i32
    %lt3A = arith.constant 26 : i32
    %lt3A_10 = arith.cmpi slt, %add3A, %lt3A : i32
    %jit3A = arith.constant 8 : i32
    %jit3A_11 = arith.constant 7 : i32
    %select_n3A = arith.select %lt3A_10, %jit3A, %jit3A_11 : i32
    %while3A = arith.constant 0 : i32
    %while3A_12 = arith.constant 0 : i32
    %while3A_13 = arith.subi %select_n3A, %while3A : i32
    %while3A_14 = arith.addi %while3A, %while3A_13 : i32
    %while3A_15 = arith.constant 1 : i32
    %while3A_16 = arith.divsi %while3A_13, %while3A_15 : i32
    %while3A_17 = arith.muli %while3A_16, %while3A_15 : i32
    %while3A_18 = arith.addi %while3A, %while3A_17 : i32
    %while3A_19 = arith.constant 1 : i32
    %while3A_20 = scf.for %while3A_30 = %while3A to %while3A_18 step %while3A_19 iter_args(%while3A_31 = %while3A_12) -> (i32)  : i32 {
      %mul3A_32 = arith.constant 32 : i32
      %mul3A_33 = arith.muli %while3A_30, %mul3A_32 : i32
      %add3A_34 = arith.addi %add3A, %mul3A_33 : i32
      %mul3A_35 = arith.constant 4000 : i32
      %mul3A_36 = arith.muli %add3A_34, %mul3A_35 : i32
      "tpu.region"() ({
        %run_scoped3A = tpu.sem_alloc : memref<!tpu.dma_semaphore, #tpu.memory_space<semaphore_mem>>
        %dma_start3A = tpu.memref_slice %arg2[%mul3A_36] : memref<1000000xf32, #tpu.memory_space<hbm>> -> memref<4000xf32, #tpu.memory_space<hbm>>
        %dma_start3A_49 = tpu.memref_slice %arg2[%mul3A_36] : memref<1000000xf32, #tpu.memory_space<hbm>> -> memref<4000xf32, #tpu.memory_space<hbm>>
        tpu.enqueue_dma source(%dma_start3A_49 : memref<4000xf32, #tpu.memory_space<hbm>>) target(%arg7 : memref<4000xf32, #tpu.memory_space<vmem>>) target_semaphore(%run_scoped3A : memref<!tpu.dma_semaphore, #tpu.memory_space<semaphore_mem>>)
        %dma_wait3A = tpu.memref_slice %arg2[%mul3A_36] : memref<1000000xf32, #tpu.memory_space<hbm>> -> memref<4000xf32, #tpu.memory_space<hbm>>
        %dma_wait3A_50 = tpu.memref_slice %arg2[%mul3A_36] : memref<1000000xf32, #tpu.memory_space<hbm>> -> memref<4000xf32, #tpu.memory_space<hbm>>
        tpu.wait_dma2 semaphore(%run_scoped3A : memref<!tpu.dma_semaphore, #tpu.memory_space<semaphore_mem>>) src(%dma_wait3A_50 : memref<4000xf32, #tpu.memory_space<hbm>>) dst(%arg7 : memref<4000xf32, #tpu.memory_space<vmem>>)
        tpu.yield
      }) : () -> ()
      %mul3A_37 = arith.constant 4000 : i32
      %mul3A_38 = arith.muli %add3A_34, %mul3A_37 : i32
      "tpu.region"() ({
        %run_scoped3A = tpu.sem_alloc : memref<!tpu.dma_semaphore, #tpu.memory_space<semaphore_mem>>
        %dma_start3A = tpu.memref_slice %arg3[%mul3A_38] : memref<1000000xf32, #tpu.memory_space<hbm>> -> memref<4000xf32, #tpu.memory_space<hbm>>
        %dma_start3A_49 = tpu.memref_slice %arg3[%mul3A_38] : memref<1000000xf32, #tpu.memory_space<hbm>> -> memref<4000xf32, #tpu.memory_space<hbm>>
        tpu.enqueue_dma source(%dma_start3A_49 : memref<4000xf32, #tpu.memory_space<hbm>>) target(%arg8 : memref<4000xf32, #tpu.memory_space<vmem>>) target_semaphore(%run_scoped3A : memref<!tpu.dma_semaphore, #tpu.memory_space<semaphore_mem>>)
        %dma_wait3A = tpu.memref_slice %arg3[%mul3A_38] : memref<1000000xf32, #tpu.memory_space<hbm>> -> memref<4000xf32, #tpu.memory_space<hbm>>
        %dma_wait3A_50 = tpu.memref_slice %arg3[%mul3A_38] : memref<1000000xf32, #tpu.memory_space<hbm>> -> memref<4000xf32, #tpu.memory_space<hbm>>
        tpu.wait_dma2 semaphore(%run_scoped3A : memref<!tpu.dma_semaphore, #tpu.memory_space<semaphore_mem>>) src(%dma_wait3A_50 : memref<4000xf32, #tpu.memory_space<hbm>>) dst(%arg8 : memref<4000xf32, #tpu.memory_space<vmem>>)
        tpu.yield
      }) : () -> ()
      %mul3A_39 = arith.constant 4000 : i32
      %mul3A_40 = arith.muli %add3A_34, %mul3A_39 : i32
      "tpu.region"() ({
        %run_scoped3A = tpu.sem_alloc : memref<!tpu.dma_semaphore, #tpu.memory_space<semaphore_mem>>
        %dma_start3A = tpu.memref_slice %arg4[%mul3A_40] : memref<1000000xi32, #tpu.memory_space<hbm>> -> memref<4000xi32, #tpu.memory_space<hbm>>
        %dma_start3A_49 = tpu.memref_slice %arg4[%mul3A_40] : memref<1000000xi32, #tpu.memory_space<hbm>> -> memref<4000xi32, #tpu.memory_space<hbm>>
        tpu.enqueue_dma source(%dma_start3A_49 : memref<4000xi32, #tpu.memory_space<hbm>>) target(%arg9 : memref<4000xi32, #tpu.memory_space<vmem>>) target_semaphore(%run_scoped3A : memref<!tpu.dma_semaphore, #tpu.memory_space<semaphore_mem>>)
        %dma_wait3A = tpu.memref_slice %arg4[%mul3A_40] : memref<1000000xi32, #tpu.memory_space<hbm>> -> memref<4000xi32, #tpu.memory_space<hbm>>
        %dma_wait3A_50 = tpu.memref_slice %arg4[%mul3A_40] : memref<1000000xi32, #tpu.memory_space<hbm>> -> memref<4000xi32, #tpu.memory_space<hbm>>
        tpu.wait_dma2 semaphore(%run_scoped3A : memref<!tpu.dma_semaphore, #tpu.memory_space<semaphore_mem>>) src(%dma_wait3A_50 : memref<4000xi32, #tpu.memory_space<hbm>>) dst(%arg9 : memref<4000xi32, #tpu.memory_space<vmem>>)
        tpu.yield
      }) : () -> ()
      %scan3A_41 = arith.constant 0 : i32
      %scan3A_42 = arith.constant 0 : i32
      %scan3A_43 = arith.constant 250 : i32
      %scan3A_44 = arith.addi %scan3A_42, %scan3A_43 : i32
      %scan3A_45 = arith.constant 1 : i32
      %scan3A_46 = scf.for %scan3A_49 = %scan3A_42 to %scan3A_44 step %scan3A_45 iter_args(%scan3A_50 = %scan3A_41) -> (i32)  : i32 {
        %mul3A_51 = arith.constant 16 : i32
        %mul3A_52 = arith.muli %scan3A_49, %mul3A_51 : i32
        %get3A = arith.index_cast %mul3A_52 : i32 to index
        %get3A_53 = tpu.vector_load %arg7[%get3A] {strides = array<i32>} : memref<4000xf32, #tpu.memory_space<vmem>>, vector<16xf32>,
        %get3A_54 = arith.index_cast %mul3A_52 : i32 to index
        %get3A_55 = tpu.vector_load %arg8[%get3A_54] {strides = array<i32>} : memref<4000xf32, #tpu.memory_space<vmem>>, vector<16xf32>,
        %get3A_56 = arith.index_cast %mul3A_52 : i32 to index
        %get3A_57 = tpu.vector_load %arg9[%get3A_56] {strides = array<i32>} : memref<4000xi32, #tpu.memory_space<vmem>>, vector<16xi32>,
        %eq3A = arith.constant 0 : i32
        %eq3A_58 = vector.broadcast %eq3A : i32 to vector<16xi32>
        %eq3A_59 = arith.cmpi eq, %get3A_57, %eq3A_58 : vector<16xi32>
        %sub3A = arith.subf %get3A_55, %get3A_53 : vector<16xf32>
        %abs3A = math.absf %sub3A : vector<16xf32>
        %add3A_60 = arith.addf %abs3A, %sub3A : vector<16xf32>
        %mul3A_61 = arith.constant 5.000000e-01 : f32
        %mul3A_62 = vector.broadcast %mul3A_61 : f32 to vector<16xf32>
        %mul3A_63 = arith.mulf %mul3A_62, %add3A_60 : vector<16xf32>
        %neg3A = arith.constant 0.000000e+00 : f32
        %neg3A_64 = vector.broadcast %neg3A : f32 to vector<16xf32>
        %neg3A_65 = arith.subf %neg3A_64, %abs3A : vector<16xf32>
        %exp3A = math.exp %neg3A_65 : vector<16xf32>
        %mul3A_66 = arith.constant 0.0301022474 : f32
        %mul3A_67 = vector.broadcast %mul3A_66 : f32 to vector<16xf32>
        %mul3A_68 = arith.mulf %exp3A, %mul3A_67 : vector<16xf32>
        %add3A_69 = arith.constant -0.130117923 : f32
        %add3A_70 = vector.broadcast %add3A_69 : f32 to vector<16xf32>
        %add3A_71 = arith.addf %add3A_70, %mul3A_68 : vector<16xf32>
        %mul3A_72 = arith.mulf %exp3A, %add3A_71 : vector<16xf32>
        %add3A_73 = arith.constant 0.283302397 : f32
        %add3A_74 = vector.broadcast %add3A_73 : f32 to vector<16xf32>
        %add3A_75 = arith.addf %add3A_74, %mul3A_72 : vector<16xf32>
        %mul3A_76 = arith.mulf %exp3A, %add3A_75 : vector<16xf32>
        %add3A_77 = arith.constant -0.489155769 : f32
        %add3A_78 = vector.broadcast %add3A_77 : f32 to vector<16xf32>
        %add3A_79 = arith.addf %add3A_78, %mul3A_76 : vector<16xf32>
        %mul3A_80 = arith.mulf %exp3A, %add3A_79 : vector<16xf32>
        %add3A_81 = arith.constant 0.999010205 : f32
        %add3A_82 = vector.broadcast %add3A_81 : f32 to vector<16xf32>
        %add3A_83 = arith.addf %add3A_82, %mul3A_80 : vector<16xf32>
        %mul3A_84 = arith.mulf %exp3A, %add3A_83 : vector<16xf32>
        %add3A_85 = arith.constant 2.21327846E-5 : f32
        %add3A_86 = vector.broadcast %add3A_85 : f32 to vector<16xf32>
        %add3A_87 = arith.addf %add3A_86, %mul3A_84 : vector<16xf32>
        %add3A_88 = arith.addf %mul3A_63, %add3A_87 : vector<16xf32>
        %sub3A_89 = arith.constant -1.800000e+01 : f32
        %sub3A_90 = vector.broadcast %sub3A_89 : f32 to vector<16xf32>
        %sub3A_91 = arith.subf %sub3A, %sub3A_90 : vector<16xf32>
        %mul3A_92 = arith.constant 56.8888893 : f32
        %mul3A_93 = vector.broadcast %mul3A_92 : f32 to vector<16xf32>
        %mul3A_94 = arith.mulf %sub3A_91, %mul3A_93 : vector<16xf32>
        %jit3A_95 = arith.constant 0.000000e+00 : f32
        %jit3A_96 = arith.constant 2.047000e+03 : f32
        %max3A = vector.broadcast %jit3A_95 : f32 to vector<16xf32>
        %max3A_97 = arith.maximumf %max3A, %mul3A_94 : vector<16xf32>
        %min3A = vector.broadcast %jit3A_96 : f32 to vector<16xf32>
        %min3A_98 = arith.minimumf %min3A, %max3A_97 : vector<16xf32>
        %convert_element_type3A = arith.fptosi %min3A_98 : vector<16xf32> to vector<16xi32>
        %shift_right_arithmetic3A = arith.constant 4 : i32
        %shift_right_arithmetic3A_99 = vector.broadcast %shift_right_arithmetic3A : i32 to vector<16xi32>
        %shift_right_arithmetic3A_100 = arith.shrsi %convert_element_type3A, %shift_right_arithmetic3A_99 : vector<16xi32>
        %and3A = arith.constant 15 : i32
        %and3A_101 = vector.broadcast %and3A : i32 to vector<16xi32>
        %and3A_102 = arith.andi %convert_element_type3A, %and3A_101 : vector<16xi32>
        tpu.vector_store_idx %arg10[%shift_right_arithmetic3A_100, %and3A_102], %broadcast_in_dim3A_3 masked %eq3A_59 {add = true} : memref<128x16xf32, #tpu.memory_space<vmem>>[vector<16xi32>, vector<16xi32>], vector<16xf32>, vector<16xi1>
        tpu.vector_store_idx %arg11[%shift_right_arithmetic3A_100, %and3A_102], %add3A_88 masked %eq3A_59 {add = true} : memref<128x16xf32, #tpu.memory_space<vmem>>[vector<16xi32>, vector<16xi32>], vector<16xf32>, vector<16xi1>
        %scan3A_103 = arith.constant 0 : i32
        scf.yield %scan3A_103 : i32
      }
      %scan3A_47 = arith.constant 250 : i32
      %while3A_48 = arith.constant 0 : i32
      scf.yield %while3A_48 : i32
    }
    %while3A_21 = arith.constant 1 : i32
    %while3A_22 = scf.for %while3A_30 = %while3A_18 to %while3A_14 step %while3A_21 iter_args(%while3A_31 = %while3A_20) -> (i32)  : i32 {
      %mul3A_32 = arith.constant 32 : i32
      %mul3A_33 = arith.muli %while3A_30, %mul3A_32 : i32
      %add3A_34 = arith.addi %add3A, %mul3A_33 : i32
      %mul3A_35 = arith.constant 4000 : i32
      %mul3A_36 = arith.muli %add3A_34, %mul3A_35 : i32
      "tpu.region"() ({
        %run_scoped3A = tpu.sem_alloc : memref<!tpu.dma_semaphore, #tpu.memory_space<semaphore_mem>>
        %dma_start3A = tpu.memref_slice %arg2[%mul3A_36] : memref<1000000xf32, #tpu.memory_space<hbm>> -> memref<4000xf32, #tpu.memory_space<hbm>>
        %dma_start3A_49 = tpu.memref_slice %arg2[%mul3A_36] : memref<1000000xf32, #tpu.memory_space<hbm>> -> memref<4000xf32, #tpu.memory_space<hbm>>
        tpu.enqueue_dma source(%dma_start3A_49 : memref<4000xf32, #tpu.memory_space<hbm>>) target(%arg7 : memref<4000xf32, #tpu.memory_space<vmem>>) target_semaphore(%run_scoped3A : memref<!tpu.dma_semaphore, #tpu.memory_space<semaphore_mem>>)
        %dma_wait3A = tpu.memref_slice %arg2[%mul3A_36] : memref<1000000xf32, #tpu.memory_space<hbm>> -> memref<4000xf32, #tpu.memory_space<hbm>>
        %dma_wait3A_50 = tpu.memref_slice %arg2[%mul3A_36] : memref<1000000xf32, #tpu.memory_space<hbm>> -> memref<4000xf32, #tpu.memory_space<hbm>>
        tpu.wait_dma2 semaphore(%run_scoped3A : memref<!tpu.dma_semaphore, #tpu.memory_space<semaphore_mem>>) src(%dma_wait3A_50 : memref<4000xf32, #tpu.memory_space<hbm>>) dst(%arg7 : memref<4000xf32, #tpu.memory_space<vmem>>)
        tpu.yield
      }) : () -> ()
      %mul3A_37 = arith.constant 4000 : i32
      %mul3A_38 = arith.muli %add3A_34, %mul3A_37 : i32
      "tpu.region"() ({
        %run_scoped3A = tpu.sem_alloc : memref<!tpu.dma_semaphore, #tpu.memory_space<semaphore_mem>>
        %dma_start3A = tpu.memref_slice %arg3[%mul3A_38] : memref<1000000xf32, #tpu.memory_space<hbm>> -> memref<4000xf32, #tpu.memory_space<hbm>>
        %dma_start3A_49 = tpu.memref_slice %arg3[%mul3A_38] : memref<1000000xf32, #tpu.memory_space<hbm>> -> memref<4000xf32, #tpu.memory_space<hbm>>
        tpu.enqueue_dma source(%dma_start3A_49 : memref<4000xf32, #tpu.memory_space<hbm>>) target(%arg8 : memref<4000xf32, #tpu.memory_space<vmem>>) target_semaphore(%run_scoped3A : memref<!tpu.dma_semaphore, #tpu.memory_space<semaphore_mem>>)
        %dma_wait3A = tpu.memref_slice %arg3[%mul3A_38] : memref<1000000xf32, #tpu.memory_space<hbm>> -> memref<4000xf32, #tpu.memory_space<hbm>>
        %dma_wait3A_50 = tpu.memref_slice %arg3[%mul3A_38] : memref<1000000xf32, #tpu.memory_space<hbm>> -> memref<4000xf32, #tpu.memory_space<hbm>>
        tpu.wait_dma2 semaphore(%run_scoped3A : memref<!tpu.dma_semaphore, #tpu.memory_space<semaphore_mem>>) src(%dma_wait3A_50 : memref<4000xf32, #tpu.memory_space<hbm>>) dst(%arg8 : memref<4000xf32, #tpu.memory_space<vmem>>)
        tpu.yield
      }) : () -> ()
      %mul3A_39 = arith.constant 4000 : i32
      %mul3A_40 = arith.muli %add3A_34, %mul3A_39 : i32
      "tpu.region"() ({
        %run_scoped3A = tpu.sem_alloc : memref<!tpu.dma_semaphore, #tpu.memory_space<semaphore_mem>>
        %dma_start3A = tpu.memref_slice %arg4[%mul3A_40] : memref<1000000xi32, #tpu.memory_space<hbm>> -> memref<4000xi32, #tpu.memory_space<hbm>>
        %dma_start3A_49 = tpu.memref_slice %arg4[%mul3A_40] : memref<1000000xi32, #tpu.memory_space<hbm>> -> memref<4000xi32, #tpu.memory_space<hbm>>
        tpu.enqueue_dma source(%dma_start3A_49 : memref<4000xi32, #tpu.memory_space<hbm>>) target(%arg9 : memref<4000xi32, #tpu.memory_space<vmem>>) target_semaphore(%run_scoped3A : memref<!tpu.dma_semaphore, #tpu.memory_space<semaphore_mem>>)
        %dma_wait3A = tpu.memref_slice %arg4[%mul3A_40] : memref<1000000xi32, #tpu.memory_space<hbm>> -> memref<4000xi32, #tpu.memory_space<hbm>>
        %dma_wait3A_50 = tpu.memref_slice %arg4[%mul3A_40] : memref<1000000xi32, #tpu.memory_space<hbm>> -> memref<4000xi32, #tpu.memory_space<hbm>>
        tpu.wait_dma2 semaphore(%run_scoped3A : memref<!tpu.dma_semaphore, #tpu.memory_space<semaphore_mem>>) src(%dma_wait3A_50 : memref<4000xi32, #tpu.memory_space<hbm>>) dst(%arg9 : memref<4000xi32, #tpu.memory_space<vmem>>)
        tpu.yield
      }) : () -> ()
      %scan3A_41 = arith.constant 0 : i32
      %scan3A_42 = arith.constant 0 : i32
      %scan3A_43 = arith.constant 250 : i32
      %scan3A_44 = arith.addi %scan3A_42, %scan3A_43 : i32
      %scan3A_45 = arith.constant 1 : i32
      %scan3A_46 = scf.for %scan3A_49 = %scan3A_42 to %scan3A_44 step %scan3A_45 iter_args(%scan3A_50 = %scan3A_41) -> (i32)  : i32 {
        %mul3A_51 = arith.constant 16 : i32
        %mul3A_52 = arith.muli %scan3A_49, %mul3A_51 : i32
        %get3A = arith.index_cast %mul3A_52 : i32 to index
        %get3A_53 = tpu.vector_load %arg7[%get3A] {strides = array<i32>} : memref<4000xf32, #tpu.memory_space<vmem>>, vector<16xf32>,
        %get3A_54 = arith.index_cast %mul3A_52 : i32 to index
        %get3A_55 = tpu.vector_load %arg8[%get3A_54] {strides = array<i32>} : memref<4000xf32, #tpu.memory_space<vmem>>, vector<16xf32>,
        %get3A_56 = arith.index_cast %mul3A_52 : i32 to index
        %get3A_57 = tpu.vector_load %arg9[%get3A_56] {strides = array<i32>} : memref<4000xi32, #tpu.memory_space<vmem>>, vector<16xi32>,
        %eq3A = arith.constant 0 : i32
        %eq3A_58 = vector.broadcast %eq3A : i32 to vector<16xi32>
        %eq3A_59 = arith.cmpi eq, %get3A_57, %eq3A_58 : vector<16xi32>
        %sub3A = arith.subf %get3A_55, %get3A_53 : vector<16xf32>
        %abs3A = math.absf %sub3A : vector<16xf32>
        %add3A_60 = arith.addf %abs3A, %sub3A : vector<16xf32>
        %mul3A_61 = arith.constant 5.000000e-01 : f32
        %mul3A_62 = vector.broadcast %mul3A_61 : f32 to vector<16xf32>
        %mul3A_63 = arith.mulf %mul3A_62, %add3A_60 : vector<16xf32>
        %neg3A = arith.constant 0.000000e+00 : f32
        %neg3A_64 = vector.broadcast %neg3A : f32 to vector<16xf32>
        %neg3A_65 = arith.subf %neg3A_64, %abs3A : vector<16xf32>
        %exp3A = math.exp %neg3A_65 : vector<16xf32>
        %mul3A_66 = arith.constant 0.0301022474 : f32
        %mul3A_67 = vector.broadcast %mul3A_66 : f32 to vector<16xf32>
        %mul3A_68 = arith.mulf %exp3A, %mul3A_67 : vector<16xf32>
        %add3A_69 = arith.constant -0.130117923 : f32
        %add3A_70 = vector.broadcast %add3A_69 : f32 to vector<16xf32>
        %add3A_71 = arith.addf %add3A_70, %mul3A_68 : vector<16xf32>
        %mul3A_72 = arith.mulf %exp3A, %add3A_71 : vector<16xf32>
        %add3A_73 = arith.constant 0.283302397 : f32
        %add3A_74 = vector.broadcast %add3A_73 : f32 to vector<16xf32>
        %add3A_75 = arith.addf %add3A_74, %mul3A_72 : vector<16xf32>
        %mul3A_76 = arith.mulf %exp3A, %add3A_75 : vector<16xf32>
        %add3A_77 = arith.constant -0.489155769 : f32
        %add3A_78 = vector.broadcast %add3A_77 : f32 to vector<16xf32>
        %add3A_79 = arith.addf %add3A_78, %mul3A_76 : vector<16xf32>
        %mul3A_80 = arith.mulf %exp3A, %add3A_79 : vector<16xf32>
        %add3A_81 = arith.constant 0.999010205 : f32
        %add3A_82 = vector.broadcast %add3A_81 : f32 to vector<16xf32>
        %add3A_83 = arith.addf %add3A_82, %mul3A_80 : vector<16xf32>
        %mul3A_84 = arith.mulf %exp3A, %add3A_83 : vector<16xf32>
        %add3A_85 = arith.constant 2.21327846E-5 : f32
        %add3A_86 = vector.broadcast %add3A_85 : f32 to vector<16xf32>
        %add3A_87 = arith.addf %add3A_86, %mul3A_84 : vector<16xf32>
        %add3A_88 = arith.addf %mul3A_63, %add3A_87 : vector<16xf32>
        %sub3A_89 = arith.constant -1.800000e+01 : f32
        %sub3A_90 = vector.broadcast %sub3A_89 : f32 to vector<16xf32>
        %sub3A_91 = arith.subf %sub3A, %sub3A_90 : vector<16xf32>
        %mul3A_92 = arith.constant 56.8888893 : f32
        %mul3A_93 = vector.broadcast %mul3A_92 : f32 to vector<16xf32>
        %mul3A_94 = arith.mulf %sub3A_91, %mul3A_93 : vector<16xf32>
        %jit3A_95 = arith.constant 0.000000e+00 : f32
        %jit3A_96 = arith.constant 2.047000e+03 : f32
        %max3A = vector.broadcast %jit3A_95 : f32 to vector<16xf32>
        %max3A_97 = arith.maximumf %max3A, %mul3A_94 : vector<16xf32>
        %min3A = vector.broadcast %jit3A_96 : f32 to vector<16xf32>
        %min3A_98 = arith.minimumf %min3A, %max3A_97 : vector<16xf32>
        %convert_element_type3A = arith.fptosi %min3A_98 : vector<16xf32> to vector<16xi32>
        %shift_right_arithmetic3A = arith.constant 4 : i32
        %shift_right_arithmetic3A_99 = vector.broadcast %shift_right_arithmetic3A : i32 to vector<16xi32>
        %shift_right_arithmetic3A_100 = arith.shrsi %convert_element_type3A, %shift_right_arithmetic3A_99 : vector<16xi32>
        %and3A = arith.constant 15 : i32
        %and3A_101 = vector.broadcast %and3A : i32 to vector<16xi32>
        %and3A_102 = arith.andi %convert_element_type3A, %and3A_101 : vector<16xi32>
        tpu.vector_store_idx %arg10[%shift_right_arithmetic3A_100, %and3A_102], %broadcast_in_dim3A_3 masked %eq3A_59 {add = true} : memref<128x16xf32, #tpu.memory_space<vmem>>[vector<16xi32>, vector<16xi32>], vector<16xf32>, vector<16xi1>
        tpu.vector_store_idx %arg11[%shift_right_arithmetic3A_100, %and3A_102], %add3A_88 masked %eq3A_59 {add = true} : memref<128x16xf32, #tpu.memory_space<vmem>>[vector<16xi32>, vector<16xi32>], vector<16xf32>, vector<16xi1>
        %scan3A_103 = arith.constant 0 : i32
        scf.yield %scan3A_103 : i32
      }
      %scan3A_47 = arith.constant 250 : i32
      %while3A_48 = arith.constant 0 : i32
      scf.yield %while3A_48 : i32
    }
    %scan3A_23 = arith.constant 0 : i32
    %scan3A_24 = arith.constant 0 : i32
    %scan3A_25 = arith.constant 128 : i32
    %scan3A_26 = arith.addi %scan3A_24, %scan3A_25 : i32
    %scan3A_27 = arith.constant 1 : i32
    %scan3A_28 = scf.for %scan3A_30 = %scan3A_24 to %scan3A_26 step %scan3A_27 iter_args(%scan3A_31 = %scan3A_23) -> (i32)  : i32 {
      "tpu.region"() ({
        %run_scoped3A = tpu.sem_alloc : memref<!tpu.dma_semaphore, #tpu.memory_space<semaphore_mem>>
        %dma_start3A = arith.constant 0 : i32
        %dma_start3A_33 = tpu.memref_slice %arg10[%scan3A_30, %dma_start3A] : memref<128x16xf32, #tpu.memory_space<vmem>> -> memref<1x16xf32, #tpu.memory_space<vmem>>
        %dma_start3A_34 = tpu.memref_squeeze %dma_start3A_33 : memref<1x16xf32, #tpu.memory_space<vmem>> -> memref<16xf32, #tpu.memory_space<vmem>>
        %dma_start3A_35 = arith.constant 0 : i32
        %dma_start3A_36 = tpu.memref_slice %arg5[%scan3A_30, %add3A, %dma_start3A_35] : memref<128x32x16xf32, #tpu.memory_space<hbm>> -> memref<1x1x16xf32, #tpu.memory_space<hbm>>
        %dma_start3A_37 = tpu.memref_squeeze %dma_start3A_36 : memref<1x1x16xf32, #tpu.memory_space<hbm>> -> memref<16xf32, #tpu.memory_space<hbm>>
        %dma_start3A_38 = arith.constant 0 : i32
        %dma_start3A_39 = tpu.memref_slice %arg5[%scan3A_30, %add3A, %dma_start3A_38] : memref<128x32x16xf32, #tpu.memory_space<hbm>> -> memref<1x1x16xf32, #tpu.memory_space<hbm>>
        %dma_start3A_40 = tpu.memref_squeeze %dma_start3A_39 : memref<1x1x16xf32, #tpu.memory_space<hbm>> -> memref<16xf32, #tpu.memory_space<hbm>>
        %dma_start3A_41 = arith.constant 0 : i32
        %dma_start3A_42 = tpu.memref_slice %arg10[%scan3A_30, %dma_start3A_41] : memref<128x16xf32, #tpu.memory_space<vmem>> -> memref<1x16xf32, #tpu.memory_space<vmem>>
        %dma_start3A_43 = tpu.memref_squeeze %dma_start3A_42 : memref<1x16xf32, #tpu.memory_space<vmem>> -> memref<16xf32, #tpu.memory_space<vmem>>
        tpu.enqueue_dma source(%dma_start3A_43 : memref<16xf32, #tpu.memory_space<vmem>>) target(%dma_start3A_40 : memref<16xf32, #tpu.memory_space<hbm>>) target_semaphore(%run_scoped3A : memref<!tpu.dma_semaphore, #tpu.memory_space<semaphore_mem>>)
        %dma_wait3A = arith.constant 0 : i32
        %dma_wait3A_44 = tpu.memref_slice %arg10[%scan3A_30, %dma_wait3A] : memref<128x16xf32, #tpu.memory_space<vmem>> -> memref<1x16xf32, #tpu.memory_space<vmem>>
        %dma_wait3A_45 = tpu.memref_squeeze %dma_wait3A_44 : memref<1x16xf32, #tpu.memory_space<vmem>> -> memref<16xf32, #tpu.memory_space<vmem>>
        %dma_wait3A_46 = arith.constant 0 : i32
        %dma_wait3A_47 = tpu.memref_slice %arg5[%scan3A_30, %add3A, %dma_wait3A_46] : memref<128x32x16xf32, #tpu.memory_space<hbm>> -> memref<1x1x16xf32, #tpu.memory_space<hbm>>
        %dma_wait3A_48 = tpu.memref_squeeze %dma_wait3A_47 : memref<1x1x16xf32, #tpu.memory_space<hbm>> -> memref<16xf32, #tpu.memory_space<hbm>>
        %dma_wait3A_49 = arith.constant 0 : i32
        %dma_wait3A_50 = tpu.memref_slice %arg5[%scan3A_30, %add3A, %dma_wait3A_49] : memref<128x32x16xf32, #tpu.memory_space<hbm>> -> memref<1x1x16xf32, #tpu.memory_space<hbm>>
        %dma_wait3A_51 = tpu.memref_squeeze %dma_wait3A_50 : memref<1x1x16xf32, #tpu.memory_space<hbm>> -> memref<16xf32, #tpu.memory_space<hbm>>
        %dma_wait3A_52 = arith.constant 0 : i32
        %dma_wait3A_53 = tpu.memref_slice %arg10[%scan3A_30, %dma_wait3A_52] : memref<128x16xf32, #tpu.memory_space<vmem>> -> memref<1x16xf32, #tpu.memory_space<vmem>>
        %dma_wait3A_54 = tpu.memref_squeeze %dma_wait3A_53 : memref<1x16xf32, #tpu.memory_space<vmem>> -> memref<16xf32, #tpu.memory_space<vmem>>
        tpu.wait_dma2 semaphore(%run_scoped3A : memref<!tpu.dma_semaphore, #tpu.memory_space<semaphore_mem>>) src(%dma_wait3A_54 : memref<16xf32, #tpu.memory_space<vmem>>) dst(%dma_wait3A_51 : memref<16xf32, #tpu.memory_space<hbm>>)
        tpu.yield
      }) : () -> ()
      "tpu.region"() ({
        %run_scoped3A = tpu.sem_alloc : memref<!tpu.dma_semaphore, #tpu.memory_space<semaphore_mem>>
        %dma_start3A = arith.constant 0 : i32
        %dma_start3A_33 = tpu.memref_slice %arg11[%scan3A_30, %dma_start3A] : memref<128x16xf32, #tpu.memory_space<vmem>> -> memref<1x16xf32, #tpu.memory_space<vmem>>
        %dma_start3A_34 = tpu.memref_squeeze %dma_start3A_33 : memref<1x16xf32, #tpu.memory_space<vmem>> -> memref<16xf32, #tpu.memory_space<vmem>>
        %dma_start3A_35 = arith.constant 0 : i32
        %dma_start3A_36 = tpu.memref_slice %arg6[%scan3A_30, %add3A, %dma_start3A_35] : memref<128x32x16xf32, #tpu.memory_space<hbm>> -> memref<1x1x16xf32, #tpu.memory_space<hbm>>
        %dma_start3A_37 = tpu.memref_squeeze %dma_start3A_36 : memref<1x1x16xf32, #tpu.memory_space<hbm>> -> memref<16xf32, #tpu.memory_space<hbm>>
        %dma_start3A_38 = arith.constant 0 : i32
        %dma_start3A_39 = tpu.memref_slice %arg6[%scan3A_30, %add3A, %dma_start3A_38] : memref<128x32x16xf32, #tpu.memory_space<hbm>> -> memref<1x1x16xf32, #tpu.memory_space<hbm>>
        %dma_start3A_40 = tpu.memref_squeeze %dma_start3A_39 : memref<1x1x16xf32, #tpu.memory_space<hbm>> -> memref<16xf32, #tpu.memory_space<hbm>>
        %dma_start3A_41 = arith.constant 0 : i32
        %dma_start3A_42 = tpu.memref_slice %arg11[%scan3A_30, %dma_start3A_41] : memref<128x16xf32, #tpu.memory_space<vmem>> -> memref<1x16xf32, #tpu.memory_space<vmem>>
        %dma_start3A_43 = tpu.memref_squeeze %dma_start3A_42 : memref<1x16xf32, #tpu.memory_space<vmem>> -> memref<16xf32, #tpu.memory_space<vmem>>
        tpu.enqueue_dma source(%dma_start3A_43 : memref<16xf32, #tpu.memory_space<vmem>>) target(%dma_start3A_40 : memref<16xf32, #tpu.memory_space<hbm>>) target_semaphore(%run_scoped3A : memref<!tpu.dma_semaphore, #tpu.memory_space<semaphore_mem>>)
        %dma_wait3A = arith.constant 0 : i32
        %dma_wait3A_44 = tpu.memref_slice %arg11[%scan3A_30, %dma_wait3A] : memref<128x16xf32, #tpu.memory_space<vmem>> -> memref<1x16xf32, #tpu.memory_space<vmem>>
        %dma_wait3A_45 = tpu.memref_squeeze %dma_wait3A_44 : memref<1x16xf32, #tpu.memory_space<vmem>> -> memref<16xf32, #tpu.memory_space<vmem>>
        %dma_wait3A_46 = arith.constant 0 : i32
        %dma_wait3A_47 = tpu.memref_slice %arg6[%scan3A_30, %add3A, %dma_wait3A_46] : memref<128x32x16xf32, #tpu.memory_space<hbm>> -> memref<1x1x16xf32, #tpu.memory_space<hbm>>
        %dma_wait3A_48 = tpu.memref_squeeze %dma_wait3A_47 : memref<1x1x16xf32, #tpu.memory_space<hbm>> -> memref<16xf32, #tpu.memory_space<hbm>>
        %dma_wait3A_49 = arith.constant 0 : i32
        %dma_wait3A_50 = tpu.memref_slice %arg6[%scan3A_30, %add3A, %dma_wait3A_49] : memref<128x32x16xf32, #tpu.memory_space<hbm>> -> memref<1x1x16xf32, #tpu.memory_space<hbm>>
        %dma_wait3A_51 = tpu.memref_squeeze %dma_wait3A_50 : memref<1x1x16xf32, #tpu.memory_space<hbm>> -> memref<16xf32, #tpu.memory_space<hbm>>
        %dma_wait3A_52 = arith.constant 0 : i32
        %dma_wait3A_53 = tpu.memref_slice %arg11[%scan3A_30, %dma_wait3A_52] : memref<128x16xf32, #tpu.memory_space<vmem>> -> memref<1x16xf32, #tpu.memory_space<vmem>>
        %dma_wait3A_54 = tpu.memref_squeeze %dma_wait3A_53 : memref<1x16xf32, #tpu.memory_space<vmem>> -> memref<16xf32, #tpu.memory_space<vmem>>
        tpu.wait_dma2 semaphore(%run_scoped3A : memref<!tpu.dma_semaphore, #tpu.memory_space<semaphore_mem>>) src(%dma_wait3A_54 : memref<16xf32, #tpu.memory_space<vmem>>) dst(%dma_wait3A_51 : memref<16xf32, #tpu.memory_space<hbm>>)
        tpu.yield
      }) : () -> ()
      %scan3A_32 = arith.constant 0 : i32
      scf.yield %scan3A_32 : i32
    }
    %scan3A_29 = arith.constant 128 : i32
    return
  }
}

#map = affine_map<(d0, d1) -> (0)>
#map1 = affine_map<(d0, d1) -> (0, 0, 0)>
module attributes {stable_mosaic.version = 14 : i64} {
  func.func @_pass1(%arg0: i32, %arg1: i32, %arg2: memref<1000000xf32, #tpu.memory_space<hbm>>, %arg3: memref<1000000xf32, #tpu.memory_space<hbm>>, %arg4: memref<1000000xi32, #tpu.memory_space<hbm>>, %arg5: memref<32x3x16xf32, #tpu.memory_space<hbm>>, %arg6: memref<31264xf32, #tpu.memory_space<vmem>>, %arg7: memref<31264xf32, #tpu.memory_space<vmem>>, %arg8: memref<31264xi32, #tpu.memory_space<vmem>>, %arg9: memref<3x16xf32, #tpu.memory_space<vmem>>) attributes {dimension_semantics = [#tpu.dimension_semantics<core_parallel>, #tpu.dimension_semantics<subcore_parallel>], iteration_bounds = array<i64: 2, 16>, scalar_prefetch = 0 : i64, scratch_operands = 4 : i64, tpu.core_type = #tpu.core_type<sc_vector_subcore>, window_params = [{transform_indices = #map}, {transform_indices = #map}, {transform_indices = #map}, {transform_indices = #map1}]} {
    %mul3A = arith.constant 16 : i32
    %mul3A_0 = arith.muli %arg0, %mul3A : i32
    %add3A = arith.addi %mul3A_0, %arg1 : i32
    %iota3A = tpu.iota {dimensions = array<i32: 0>} : vector<16xi32>
    %broadcast_in_dim3A = arith.constant 0.000000e+00 : f32
    %broadcast_in_dim3A_1 = vector.broadcast %broadcast_in_dim3A : f32 to vector<16xf32>
    %mul3A_2 = arith.constant 31250 : i32
    %mul3A_3 = arith.muli %add3A, %mul3A_2 : i32
    %and3A = arith.constant -8 : i32
    %and3A_4 = arith.andi %mul3A_3, %and3A : i32
    %multiple_of3A = tpu.assume_multiple %and3A_4, 8 : i32
    %eq3A = arith.constant 31 : i32
    %eq3A_5 = arith.cmpi eq, %add3A, %eq3A : i32
    %add3A_6 = arith.constant 1 : i32
    %add3A_7 = arith.addi %add3A, %add3A_6 : i32
    %mul3A_8 = arith.constant 31250 : i32
    %mul3A_9 = arith.muli %add3A_7, %mul3A_8 : i32
    %and3A_10 = arith.constant -8 : i32
    %and3A_11 = arith.andi %mul3A_9, %and3A_10 : i32
    %jit3A = arith.constant 1000000 : i32
    %select_n3A = arith.select %eq3A_5, %jit3A, %and3A_11 : i32
    %sub3A = arith.subi %select_n3A, %multiple_of3A : i32
    "tpu.region"() ({
      %run_scoped3A = tpu.sem_alloc : memref<!tpu.dma_semaphore, #tpu.memory_space<semaphore_mem>>
      %dma_start3A = arith.constant 0 : i32
      %dma_start3A_154 = tpu.memref_slice %arg6[%dma_start3A] : memref<31264xf32, #tpu.memory_space<vmem>> -> memref<31256xf32, #tpu.memory_space<vmem>>
      %dma_start3A_155 = tpu.memref_slice %arg2[%multiple_of3A] : memref<1000000xf32, #tpu.memory_space<hbm>> -> memref<31256xf32, #tpu.memory_space<hbm>>
      %dma_start3A_156 = arith.constant 0 : i32
      %dma_start3A_157 = tpu.memref_slice %arg6[%dma_start3A_156] : memref<31264xf32, #tpu.memory_space<vmem>> -> memref<31256xf32, #tpu.memory_space<vmem>>
      %dma_start3A_158 = tpu.memref_slice %arg2[%multiple_of3A] : memref<1000000xf32, #tpu.memory_space<hbm>> -> memref<31256xf32, #tpu.memory_space<hbm>>
      tpu.enqueue_dma source(%dma_start3A_158 : memref<31256xf32, #tpu.memory_space<hbm>>) target(%dma_start3A_157 : memref<31256xf32, #tpu.memory_space<vmem>>) target_semaphore(%run_scoped3A : memref<!tpu.dma_semaphore, #tpu.memory_space<semaphore_mem>>)
      %dma_wait3A = arith.constant 0 : i32
      %dma_wait3A_159 = tpu.memref_slice %arg6[%dma_wait3A] : memref<31264xf32, #tpu.memory_space<vmem>> -> memref<31256xf32, #tpu.memory_space<vmem>>
      %dma_wait3A_160 = tpu.memref_slice %arg2[%multiple_of3A] : memref<1000000xf32, #tpu.memory_space<hbm>> -> memref<31256xf32, #tpu.memory_space<hbm>>
      %dma_wait3A_161 = arith.constant 0 : i32
      %dma_wait3A_162 = tpu.memref_slice %arg6[%dma_wait3A_161] : memref<31264xf32, #tpu.memory_space<vmem>> -> memref<31256xf32, #tpu.memory_space<vmem>>
      %dma_wait3A_163 = tpu.memref_slice %arg2[%multiple_of3A] : memref<1000000xf32, #tpu.memory_space<hbm>> -> memref<31256xf32, #tpu.memory_space<hbm>>
      tpu.wait_dma2 semaphore(%run_scoped3A : memref<!tpu.dma_semaphore, #tpu.memory_space<semaphore_mem>>) src(%dma_wait3A_163 : memref<31256xf32, #tpu.memory_space<hbm>>) dst(%dma_wait3A_162 : memref<31256xf32, #tpu.memory_space<vmem>>)
      tpu.yield
    }) : () -> ()
    "tpu.region"() ({
      %run_scoped3A = tpu.sem_alloc : memref<!tpu.dma_semaphore, #tpu.memory_space<semaphore_mem>>
      %dma_start3A = arith.constant 0 : i32
      %dma_start3A_154 = tpu.memref_slice %arg7[%dma_start3A] : memref<31264xf32, #tpu.memory_space<vmem>> -> memref<31256xf32, #tpu.memory_space<vmem>>
      %dma_start3A_155 = tpu.memref_slice %arg3[%multiple_of3A] : memref<1000000xf32, #tpu.memory_space<hbm>> -> memref<31256xf32, #tpu.memory_space<hbm>>
      %dma_start3A_156 = arith.constant 0 : i32
      %dma_start3A_157 = tpu.memref_slice %arg7[%dma_start3A_156] : memref<31264xf32, #tpu.memory_space<vmem>> -> memref<31256xf32, #tpu.memory_space<vmem>>
      %dma_start3A_158 = tpu.memref_slice %arg3[%multiple_of3A] : memref<1000000xf32, #tpu.memory_space<hbm>> -> memref<31256xf32, #tpu.memory_space<hbm>>
      tpu.enqueue_dma source(%dma_start3A_158 : memref<31256xf32, #tpu.memory_space<hbm>>) target(%dma_start3A_157 : memref<31256xf32, #tpu.memory_space<vmem>>) target_semaphore(%run_scoped3A : memref<!tpu.dma_semaphore, #tpu.memory_space<semaphore_mem>>)
      %dma_wait3A = arith.constant 0 : i32
      %dma_wait3A_159 = tpu.memref_slice %arg7[%dma_wait3A] : memref<31264xf32, #tpu.memory_space<vmem>> -> memref<31256xf32, #tpu.memory_space<vmem>>
      %dma_wait3A_160 = tpu.memref_slice %arg3[%multiple_of3A] : memref<1000000xf32, #tpu.memory_space<hbm>> -> memref<31256xf32, #tpu.memory_space<hbm>>
      %dma_wait3A_161 = arith.constant 0 : i32
      %dma_wait3A_162 = tpu.memref_slice %arg7[%dma_wait3A_161] : memref<31264xf32, #tpu.memory_space<vmem>> -> memref<31256xf32, #tpu.memory_space<vmem>>
      %dma_wait3A_163 = tpu.memref_slice %arg3[%multiple_of3A] : memref<1000000xf32, #tpu.memory_space<hbm>> -> memref<31256xf32, #tpu.memory_space<hbm>>
      tpu.wait_dma2 semaphore(%run_scoped3A : memref<!tpu.dma_semaphore, #tpu.memory_space<semaphore_mem>>) src(%dma_wait3A_163 : memref<31256xf32, #tpu.memory_space<hbm>>) dst(%dma_wait3A_162 : memref<31256xf32, #tpu.memory_space<vmem>>)
      tpu.yield
    }) : () -> ()
    "tpu.region"() ({
      %run_scoped3A = tpu.sem_alloc : memref<!tpu.dma_semaphore, #tpu.memory_space<semaphore_mem>>
      %dma_start3A = arith.constant 0 : i32
      %dma_start3A_154 = tpu.memref_slice %arg8[%dma_start3A] : memref<31264xi32, #tpu.memory_space<vmem>> -> memref<31256xi32, #tpu.memory_space<vmem>>
      %dma_start3A_155 = tpu.memref_slice %arg4[%multiple_of3A] : memref<1000000xi32, #tpu.memory_space<hbm>> -> memref<31256xi32, #tpu.memory_space<hbm>>
      %dma_start3A_156 = arith.constant 0 : i32
      %dma_start3A_157 = tpu.memref_slice %arg8[%dma_start3A_156] : memref<31264xi32, #tpu.memory_space<vmem>> -> memref<31256xi32, #tpu.memory_space<vmem>>
      %dma_start3A_158 = tpu.memref_slice %arg4[%multiple_of3A] : memref<1000000xi32, #tpu.memory_space<hbm>> -> memref<31256xi32, #tpu.memory_space<hbm>>
      tpu.enqueue_dma source(%dma_start3A_158 : memref<31256xi32, #tpu.memory_space<hbm>>) target(%dma_start3A_157 : memref<31256xi32, #tpu.memory_space<vmem>>) target_semaphore(%run_scoped3A : memref<!tpu.dma_semaphore, #tpu.memory_space<semaphore_mem>>)
      %dma_wait3A = arith.constant 0 : i32
      %dma_wait3A_159 = tpu.memref_slice %arg8[%dma_wait3A] : memref<31264xi32, #tpu.memory_space<vmem>> -> memref<31256xi32, #tpu.memory_space<vmem>>
      %dma_wait3A_160 = tpu.memref_slice %arg4[%multiple_of3A] : memref<1000000xi32, #tpu.memory_space<hbm>> -> memref<31256xi32, #tpu.memory_space<hbm>>
      %dma_wait3A_161 = arith.constant 0 : i32
      %dma_wait3A_162 = tpu.memref_slice %arg8[%dma_wait3A_161] : memref<31264xi32, #tpu.memory_space<vmem>> -> memref<31256xi32, #tpu.memory_space<vmem>>
      %dma_wait3A_163 = tpu.memref_slice %arg4[%multiple_of3A] : memref<1000000xi32, #tpu.memory_space<hbm>> -> memref<31256xi32, #tpu.memory_space<hbm>>
      tpu.wait_dma2 semaphore(%run_scoped3A : memref<!tpu.dma_semaphore, #tpu.memory_space<semaphore_mem>>) src(%dma_wait3A_163 : memref<31256xi32, #tpu.memory_space<hbm>>) dst(%dma_wait3A_162 : memref<31256xi32, #tpu.memory_space<vmem>>)
      tpu.yield
    }) : () -> ()
    %scan3A = arith.constant 0 : i32
    %scan3A_12 = arith.constant 488 : i32
    %scan3A_13 = arith.addi %scan3A, %scan3A_12 : i32
    %scan3A_14 = arith.constant 1 : i32
    %scan3A_15:12 = scf.for %scan3A_154 = %scan3A to %scan3A_13 step %scan3A_14 iter_args(%scan3A_155 = %broadcast_in_dim3A_1, %scan3A_156 = %broadcast_in_dim3A_1, %scan3A_157 = %broadcast_in_dim3A_1, %scan3A_158 = %broadcast_in_dim3A_1, %scan3A_159 = %broadcast_in_dim3A_1, %scan3A_160 = %broadcast_in_dim3A_1, %scan3A_161 = %broadcast_in_dim3A_1, %scan3A_162 = %broadcast_in_dim3A_1, %scan3A_163 = %broadcast_in_dim3A_1, %scan3A_164 = %broadcast_in_dim3A_1, %scan3A_165 = %broadcast_in_dim3A_1, %scan3A_166 = %broadcast_in_dim3A_1) -> (vector<16xf32>, vector<16xf32>, vector<16xf32>, vector<16xf32>, vector<16xf32>, vector<16xf32>, vector<16xf32>, vector<16xf32>, vector<16xf32>, vector<16xf32>, vector<16xf32>, vector<16xf32>)  : i32 {
      %mul3A_167 = arith.constant 4 : i32
      %mul3A_168 = arith.muli %scan3A_154, %mul3A_167 : i32
      %add3A_169 = arith.constant 0 : i32
      %add3A_170 = arith.addi %mul3A_168, %add3A_169 : i32
      %mul3A_171 = arith.constant 16 : i32
      %mul3A_172 = arith.muli %add3A_170, %mul3A_171 : i32
      %get3A_173 = arith.index_cast %mul3A_172 : i32 to index
      %get3A_174 = tpu.vector_load %arg6[%get3A_173] {strides = array<i32>} : memref<31264xf32, #tpu.memory_space<vmem>>, vector<16xf32>,
      %get3A_175 = arith.index_cast %mul3A_172 : i32 to index
      %get3A_176 = tpu.vector_load %arg7[%get3A_175] {strides = array<i32>} : memref<31264xf32, #tpu.memory_space<vmem>>, vector<16xf32>,
      %get3A_177 = arith.index_cast %mul3A_172 : i32 to index
      %get3A_178 = tpu.vector_load %arg8[%get3A_177] {strides = array<i32>} : memref<31264xi32, #tpu.memory_space<vmem>>, vector<16xi32>,
      %convert_element_type3A_179 = arith.sitofp %get3A_178 : vector<16xi32> to vector<16xf32>
      %sub3A_180 = arith.subf %get3A_176, %get3A_174 : vector<16xf32>
      %abs3A_181 = math.absf %sub3A_180 : vector<16xf32>
      %neg3A_182 = arith.constant 0.000000e+00 : f32
      %neg3A_183 = vector.broadcast %neg3A_182 : f32 to vector<16xf32>
      %neg3A_184 = arith.subf %neg3A_183, %abs3A_181 : vector<16xf32>
      %exp3A_185 = math.exp %neg3A_184 : vector<16xf32>
      %add3A_186 = arith.addf %abs3A_181, %sub3A_180 : vector<16xf32>
      %mul3A_187 = arith.constant 5.000000e-01 : f32
      %mul3A_188 = vector.broadcast %mul3A_187 : f32 to vector<16xf32>
      %mul3A_189 = arith.mulf %mul3A_188, %add3A_186 : vector<16xf32>
      %mul3A_190 = arith.mulf %sub3A_180, %convert_element_type3A_179 : vector<16xf32>
      %sub3A_191 = arith.subf %mul3A_189, %mul3A_190 : vector<16xf32>
      %mul3A_192 = arith.constant 0.0301022474 : f32
      %mul3A_193 = vector.broadcast %mul3A_192 : f32 to vector<16xf32>
      %mul3A_194 = arith.mulf %exp3A_185, %mul3A_193 : vector<16xf32>
      %add3A_195 = arith.constant -0.130117923 : f32
      %add3A_196 = vector.broadcast %add3A_195 : f32 to vector<16xf32>
      %add3A_197 = arith.addf %add3A_196, %mul3A_194 : vector<16xf32>
      %mul3A_198 = arith.mulf %exp3A_185, %add3A_197 : vector<16xf32>
      %add3A_199 = arith.constant 0.283302397 : f32
      %add3A_200 = vector.broadcast %add3A_199 : f32 to vector<16xf32>
      %add3A_201 = arith.addf %add3A_200, %mul3A_198 : vector<16xf32>
      %mul3A_202 = arith.mulf %exp3A_185, %add3A_201 : vector<16xf32>
      %add3A_203 = arith.constant -0.489155769 : f32
      %add3A_204 = vector.broadcast %add3A_203 : f32 to vector<16xf32>
      %add3A_205 = arith.addf %add3A_204, %mul3A_202 : vector<16xf32>
      %mul3A_206 = arith.mulf %exp3A_185, %add3A_205 : vector<16xf32>
      %add3A_207 = arith.constant 0.999010205 : f32
      %add3A_208 = vector.broadcast %add3A_207 : f32 to vector<16xf32>
      %add3A_209 = arith.addf %add3A_208, %mul3A_206 : vector<16xf32>
      %mul3A_210 = arith.mulf %exp3A_185, %add3A_209 : vector<16xf32>
      %add3A_211 = arith.constant 2.21327846E-5 : f32
      %add3A_212 = vector.broadcast %add3A_211 : f32 to vector<16xf32>
      %add3A_213 = arith.addf %add3A_212, %mul3A_210 : vector<16xf32>
      %add3A_214 = arith.addf %sub3A_191, %add3A_213 : vector<16xf32>
      %mul3A_215 = arith.mulf %add3A_214, %convert_element_type3A_179 : vector<16xf32>
      %add3A_216 = arith.addf %scan3A_155, %mul3A_215 : vector<16xf32>
      %add3A_217 = arith.addf %scan3A_156, %add3A_214 : vector<16xf32>
      %add3A_218 = arith.addf %scan3A_157, %convert_element_type3A_179 : vector<16xf32>
      %mul3A_219 = arith.constant 4 : i32
      %mul3A_220 = arith.muli %scan3A_154, %mul3A_219 : i32
      %add3A_221 = arith.constant 1 : i32
      %add3A_222 = arith.addi %mul3A_220, %add3A_221 : i32
      %mul3A_223 = arith.constant 16 : i32
      %mul3A_224 = arith.muli %add3A_222, %mul3A_223 : i32
      %get3A_225 = arith.index_cast %mul3A_224 : i32 to index
      %get3A_226 = tpu.vector_load %arg6[%get3A_225] {strides = array<i32>} : memref<31264xf32, #tpu.memory_space<vmem>>, vector<16xf32>,
      %get3A_227 = arith.index_cast %mul3A_224 : i32 to index
      %get3A_228 = tpu.vector_load %arg7[%get3A_227] {strides = array<i32>} : memref<31264xf32, #tpu.memory_space<vmem>>, vector<16xf32>,
      %get3A_229 = arith.index_cast %mul3A_224 : i32 to index
      %get3A_230 = tpu.vector_load %arg8[%get3A_229] {strides = array<i32>} : memref<31264xi32, #tpu.memory_space<vmem>>, vector<16xi32>,
      %convert_element_type3A_231 = arith.sitofp %get3A_230 : vector<16xi32> to vector<16xf32>
      %sub3A_232 = arith.subf %get3A_228, %get3A_226 : vector<16xf32>
      %abs3A_233 = math.absf %sub3A_232 : vector<16xf32>
      %neg3A_234 = arith.constant 0.000000e+00 : f32
      %neg3A_235 = vector.broadcast %neg3A_234 : f32 to vector<16xf32>
      %neg3A_236 = arith.subf %neg3A_235, %abs3A_233 : vector<16xf32>
      %exp3A_237 = math.exp %neg3A_236 : vector<16xf32>
      %add3A_238 = arith.addf %abs3A_233, %sub3A_232 : vector<16xf32>
      %mul3A_239 = arith.constant 5.000000e-01 : f32
      %mul3A_240 = vector.broadcast %mul3A_239 : f32 to vector<16xf32>
      %mul3A_241 = arith.mulf %mul3A_240, %add3A_238 : vector<16xf32>
      %mul3A_242 = arith.mulf %sub3A_232, %convert_element_type3A_231 : vector<16xf32>
      %sub3A_243 = arith.subf %mul3A_241, %mul3A_242 : vector<16xf32>
      %mul3A_244 = arith.constant 0.0301022474 : f32
      %mul3A_245 = vector.broadcast %mul3A_244 : f32 to vector<16xf32>
      %mul3A_246 = arith.mulf %exp3A_237, %mul3A_245 : vector<16xf32>
      %add3A_247 = arith.constant -0.130117923 : f32
      %add3A_248 = vector.broadcast %add3A_247 : f32 to vector<16xf32>
      %add3A_249 = arith.addf %add3A_248, %mul3A_246 : vector<16xf32>
      %mul3A_250 = arith.mulf %exp3A_237, %add3A_249 : vector<16xf32>
      %add3A_251 = arith.constant 0.283302397 : f32
      %add3A_252 = vector.broadcast %add3A_251 : f32 to vector<16xf32>
      %add3A_253 = arith.addf %add3A_252, %mul3A_250 : vector<16xf32>
      %mul3A_254 = arith.mulf %exp3A_237, %add3A_253 : vector<16xf32>
      %add3A_255 = arith.constant -0.489155769 : f32
      %add3A_256 = vector.broadcast %add3A_255 : f32 to vector<16xf32>
      %add3A_257 = arith.addf %add3A_256, %mul3A_254 : vector<16xf32>
      %mul3A_258 = arith.mulf %exp3A_237, %add3A_257 : vector<16xf32>
      %add3A_259 = arith.constant 0.999010205 : f32
      %add3A_260 = vector.broadcast %add3A_259 : f32 to vector<16xf32>
      %add3A_261 = arith.addf %add3A_260, %mul3A_258 : vector<16xf32>
      %mul3A_262 = arith.mulf %exp3A_237, %add3A_261 : vector<16xf32>
      %add3A_263 = arith.constant 2.21327846E-5 : f32
      %add3A_264 = vector.broadcast %add3A_263 : f32 to vector<16xf32>
      %add3A_265 = arith.addf %add3A_264, %mul3A_262 : vector<16xf32>
      %add3A_266 = arith.addf %sub3A_243, %add3A_265 : vector<16xf32>
      %mul3A_267 = arith.mulf %add3A_266, %convert_element_type3A_231 : vector<16xf32>
      %add3A_268 = arith.addf %scan3A_158, %mul3A_267 : vector<16xf32>
      %add3A_269 = arith.addf %scan3A_159, %add3A_266 : vector<16xf32>
      %add3A_270 = arith.addf %scan3A_160, %convert_element_type3A_231 : vector<16xf32>
      %mul3A_271 = arith.constant 4 : i32
      %mul3A_272 = arith.muli %scan3A_154, %mul3A_271 : i32
      %add3A_273 = arith.constant 2 : i32
      %add3A_274 = arith.addi %mul3A_272, %add3A_273 : i32
      %mul3A_275 = arith.constant 16 : i32
      %mul3A_276 = arith.muli %add3A_274, %mul3A_275 : i32
      %get3A_277 = arith.index_cast %mul3A_276 : i32 to index
      %get3A_278 = tpu.vector_load %arg6[%get3A_277] {strides = array<i32>} : memref<31264xf32, #tpu.memory_space<vmem>>, vector<16xf32>,
      %get3A_279 = arith.index_cast %mul3A_276 : i32 to index
      %get3A_280 = tpu.vector_load %arg7[%get3A_279] {strides = array<i32>} : memref<31264xf32, #tpu.memory_space<vmem>>, vector<16xf32>,
      %get3A_281 = arith.index_cast %mul3A_276 : i32 to index
      %get3A_282 = tpu.vector_load %arg8[%get3A_281] {strides = array<i32>} : memref<31264xi32, #tpu.memory_space<vmem>>, vector<16xi32>,
      %convert_element_type3A_283 = arith.sitofp %get3A_282 : vector<16xi32> to vector<16xf32>
      %sub3A_284 = arith.subf %get3A_280, %get3A_278 : vector<16xf32>
      %abs3A_285 = math.absf %sub3A_284 : vector<16xf32>
      %neg3A_286 = arith.constant 0.000000e+00 : f32
      %neg3A_287 = vector.broadcast %neg3A_286 : f32 to vector<16xf32>
      %neg3A_288 = arith.subf %neg3A_287, %abs3A_285 : vector<16xf32>
      %exp3A_289 = math.exp %neg3A_288 : vector<16xf32>
      %add3A_290 = arith.addf %abs3A_285, %sub3A_284 : vector<16xf32>
      %mul3A_291 = arith.constant 5.000000e-01 : f32
      %mul3A_292 = vector.broadcast %mul3A_291 : f32 to vector<16xf32>
      %mul3A_293 = arith.mulf %mul3A_292, %add3A_290 : vector<16xf32>
      %mul3A_294 = arith.mulf %sub3A_284, %convert_element_type3A_283 : vector<16xf32>
      %sub3A_295 = arith.subf %mul3A_293, %mul3A_294 : vector<16xf32>
      %mul3A_296 = arith.constant 0.0301022474 : f32
      %mul3A_297 = vector.broadcast %mul3A_296 : f32 to vector<16xf32>
      %mul3A_298 = arith.mulf %exp3A_289, %mul3A_297 : vector<16xf32>
      %add3A_299 = arith.constant -0.130117923 : f32
      %add3A_300 = vector.broadcast %add3A_299 : f32 to vector<16xf32>
      %add3A_301 = arith.addf %add3A_300, %mul3A_298 : vector<16xf32>
      %mul3A_302 = arith.mulf %exp3A_289, %add3A_301 : vector<16xf32>
      %add3A_303 = arith.constant 0.283302397 : f32
      %add3A_304 = vector.broadcast %add3A_303 : f32 to vector<16xf32>
      %add3A_305 = arith.addf %add3A_304, %mul3A_302 : vector<16xf32>
      %mul3A_306 = arith.mulf %exp3A_289, %add3A_305 : vector<16xf32>
      %add3A_307 = arith.constant -0.489155769 : f32
      %add3A_308 = vector.broadcast %add3A_307 : f32 to vector<16xf32>
      %add3A_309 = arith.addf %add3A_308, %mul3A_306 : vector<16xf32>
      %mul3A_310 = arith.mulf %exp3A_289, %add3A_309 : vector<16xf32>
      %add3A_311 = arith.constant 0.999010205 : f32
      %add3A_312 = vector.broadcast %add3A_311 : f32 to vector<16xf32>
      %add3A_313 = arith.addf %add3A_312, %mul3A_310 : vector<16xf32>
      %mul3A_314 = arith.mulf %exp3A_289, %add3A_313 : vector<16xf32>
      %add3A_315 = arith.constant 2.21327846E-5 : f32
      %add3A_316 = vector.broadcast %add3A_315 : f32 to vector<16xf32>
      %add3A_317 = arith.addf %add3A_316, %mul3A_314 : vector<16xf32>
      %add3A_318 = arith.addf %sub3A_295, %add3A_317 : vector<16xf32>
      %mul3A_319 = arith.mulf %add3A_318, %convert_element_type3A_283 : vector<16xf32>
      %add3A_320 = arith.addf %scan3A_161, %mul3A_319 : vector<16xf32>
      %add3A_321 = arith.addf %scan3A_162, %add3A_318 : vector<16xf32>
      %add3A_322 = arith.addf %scan3A_163, %convert_element_type3A_283 : vector<16xf32>
      %mul3A_323 = arith.constant 4 : i32
      %mul3A_324 = arith.muli %scan3A_154, %mul3A_323 : i32
      %add3A_325 = arith.constant 3 : i32
      %add3A_326 = arith.addi %mul3A_324, %add3A_325 : i32
      %mul3A_327 = arith.constant 16 : i32
      %mul3A_328 = arith.muli %add3A_326, %mul3A_327 : i32
      %get3A_329 = arith.index_cast %mul3A_328 : i32 to index
      %get3A_330 = tpu.vector_load %arg6[%get3A_329] {strides = array<i32>} : memref<31264xf32, #tpu.memory_space<vmem>>, vector<16xf32>,
      %get3A_331 = arith.index_cast %mul3A_328 : i32 to index
      %get3A_332 = tpu.vector_load %arg7[%get3A_331] {strides = array<i32>} : memref<31264xf32, #tpu.memory_space<vmem>>, vector<16xf32>,
      %get3A_333 = arith.index_cast %mul3A_328 : i32 to index
      %get3A_334 = tpu.vector_load %arg8[%get3A_333] {strides = array<i32>} : memref<31264xi32, #tpu.memory_space<vmem>>, vector<16xi32>,
      %convert_element_type3A_335 = arith.sitofp %get3A_334 : vector<16xi32> to vector<16xf32>
      %sub3A_336 = arith.subf %get3A_332, %get3A_330 : vector<16xf32>
      %abs3A_337 = math.absf %sub3A_336 : vector<16xf32>
      %neg3A_338 = arith.constant 0.000000e+00 : f32
      %neg3A_339 = vector.broadcast %neg3A_338 : f32 to vector<16xf32>
      %neg3A_340 = arith.subf %neg3A_339, %abs3A_337 : vector<16xf32>
      %exp3A_341 = math.exp %neg3A_340 : vector<16xf32>
      %add3A_342 = arith.addf %abs3A_337, %sub3A_336 : vector<16xf32>
      %mul3A_343 = arith.constant 5.000000e-01 : f32
      %mul3A_344 = vector.broadcast %mul3A_343 : f32 to vector<16xf32>
      %mul3A_345 = arith.mulf %mul3A_344, %add3A_342 : vector<16xf32>
      %mul3A_346 = arith.mulf %sub3A_336, %convert_element_type3A_335 : vector<16xf32>
      %sub3A_347 = arith.subf %mul3A_345, %mul3A_346 : vector<16xf32>
      %mul3A_348 = arith.constant 0.0301022474 : f32
      %mul3A_349 = vector.broadcast %mul3A_348 : f32 to vector<16xf32>
      %mul3A_350 = arith.mulf %exp3A_341, %mul3A_349 : vector<16xf32>
      %add3A_351 = arith.constant -0.130117923 : f32
      %add3A_352 = vector.broadcast %add3A_351 : f32 to vector<16xf32>
      %add3A_353 = arith.addf %add3A_352, %mul3A_350 : vector<16xf32>
      %mul3A_354 = arith.mulf %exp3A_341, %add3A_353 : vector<16xf32>
      %add3A_355 = arith.constant 0.283302397 : f32
      %add3A_356 = vector.broadcast %add3A_355 : f32 to vector<16xf32>
      %add3A_357 = arith.addf %add3A_356, %mul3A_354 : vector<16xf32>
      %mul3A_358 = arith.mulf %exp3A_341, %add3A_357 : vector<16xf32>
      %add3A_359 = arith.constant -0.489155769 : f32
      %add3A_360 = vector.broadcast %add3A_359 : f32 to vector<16xf32>
      %add3A_361 = arith.addf %add3A_360, %mul3A_358 : vector<16xf32>
      %mul3A_362 = arith.mulf %exp3A_341, %add3A_361 : vector<16xf32>
      %add3A_363 = arith.constant 0.999010205 : f32
      %add3A_364 = vector.broadcast %add3A_363 : f32 to vector<16xf32>
      %add3A_365 = arith.addf %add3A_364, %mul3A_362 : vector<16xf32>
      %mul3A_366 = arith.mulf %exp3A_341, %add3A_365 : vector<16xf32>
      %add3A_367 = arith.constant 2.21327846E-5 : f32
      %add3A_368 = vector.broadcast %add3A_367 : f32 to vector<16xf32>
      %add3A_369 = arith.addf %add3A_368, %mul3A_366 : vector<16xf32>
      %add3A_370 = arith.addf %sub3A_347, %add3A_369 : vector<16xf32>
      %mul3A_371 = arith.mulf %add3A_370, %convert_element_type3A_335 : vector<16xf32>
      %add3A_372 = arith.addf %scan3A_164, %mul3A_371 : vector<16xf32>
      %add3A_373 = arith.addf %scan3A_165, %add3A_370 : vector<16xf32>
      %add3A_374 = arith.addf %scan3A_166, %convert_element_type3A_335 : vector<16xf32>
      scf.yield %add3A_216, %add3A_217, %add3A_218, %add3A_268, %add3A_269, %add3A_270, %add3A_320, %add3A_321, %add3A_322, %add3A_372, %add3A_373, %add3A_374 : vector<16xf32>, vector<16xf32>, vector<16xf32>, vector<16xf32>, vector<16xf32>, vector<16xf32>, vector<16xf32>, vector<16xf32>, vector<16xf32>, vector<16xf32>, vector<16xf32>, vector<16xf32>
    }
    %scan3A_16 = arith.constant 488 : i32
    %add3A_17 = arith.addf %broadcast_in_dim3A_1, %scan3A_15#0 : vector<16xf32>
    %add3A_18 = arith.addf %add3A_17, %scan3A_15#3 : vector<16xf32>
    %add3A_19 = arith.addf %add3A_18, %scan3A_15#6 : vector<16xf32>
    %add3A_20 = arith.addf %add3A_19, %scan3A_15#9 : vector<16xf32>
    %add3A_21 = arith.addf %broadcast_in_dim3A_1, %scan3A_15#1 : vector<16xf32>
    %add3A_22 = arith.addf %add3A_21, %scan3A_15#4 : vector<16xf32>
    %add3A_23 = arith.addf %add3A_22, %scan3A_15#7 : vector<16xf32>
    %add3A_24 = arith.addf %add3A_23, %scan3A_15#10 : vector<16xf32>
    %add3A_25 = arith.addf %broadcast_in_dim3A_1, %scan3A_15#2 : vector<16xf32>
    %add3A_26 = arith.addf %add3A_25, %scan3A_15#5 : vector<16xf32>
    %add3A_27 = arith.addf %add3A_26, %scan3A_15#8 : vector<16xf32>
    %add3A_28 = arith.addf %add3A_27, %scan3A_15#11 : vector<16xf32>
    %add3A_29 = arith.constant 31232 : i32
    %add3A_30 = vector.broadcast %add3A_29 : i32 to vector<16xi32>
    %add3A_31 = arith.addi %add3A_30, %iota3A : vector<16xi32>
    %lt3A = vector.broadcast %sub3A : i32 to vector<16xi32>
    %lt3A_32 = arith.cmpi slt, %add3A_31, %lt3A : vector<16xi32>
    %get3A = arith.constant 31232 : index
    %get3A_33 = tpu.vector_load %arg6[%get3A] {strides = array<i32>} : memref<31264xf32, #tpu.memory_space<vmem>>, vector<16xf32>,
    %get3A_34 = arith.constant 31232 : index
    %get3A_35 = tpu.vector_load %arg7[%get3A_34] {strides = array<i32>} : memref<31264xf32, #tpu.memory_space<vmem>>, vector<16xf32>,
    %get3A_36 = arith.constant 31232 : index
    %get3A_37 = tpu.vector_load %arg8[%get3A_36] {strides = array<i32>} : memref<31264xi32, #tpu.memory_space<vmem>>, vector<16xi32>,
    %convert_element_type3A = arith.sitofp %get3A_37 : vector<16xi32> to vector<16xf32>
    %sub3A_38 = arith.subf %get3A_35, %get3A_33 : vector<16xf32>
    %jit3A_39 = arith.constant 0.000000e+00 : f32
    %broadcast_in_dim3A_40 = vector.broadcast %jit3A_39 : f32 to vector<16xf32>
    %select_n3A_41 = arith.select %lt3A_32, %sub3A_38, %broadcast_in_dim3A_40 : vector<16xi1>, vector<16xf32>
    %jit3A_42 = arith.constant 0.000000e+00 : f32
    %broadcast_in_dim3A_43 = vector.broadcast %jit3A_42 : f32 to vector<16xf32>
    %select_n3A_44 = arith.select %lt3A_32, %convert_element_type3A, %broadcast_in_dim3A_43 : vector<16xi1>, vector<16xf32>
    %abs3A = math.absf %select_n3A_41 : vector<16xf32>
    %neg3A = arith.constant 0.000000e+00 : f32
    %neg3A_45 = vector.broadcast %neg3A : f32 to vector<16xf32>
    %neg3A_46 = arith.subf %neg3A_45, %abs3A : vector<16xf32>
    %exp3A = math.exp %neg3A_46 : vector<16xf32>
    %add3A_47 = arith.addf %abs3A, %select_n3A_41 : vector<16xf32>
    %mul3A_48 = arith.constant 5.000000e-01 : f32
    %mul3A_49 = vector.broadcast %mul3A_48 : f32 to vector<16xf32>
    %mul3A_50 = arith.mulf %mul3A_49, %add3A_47 : vector<16xf32>
    %mul3A_51 = arith.mulf %select_n3A_41, %select_n3A_44 : vector<16xf32>
    %sub3A_52 = arith.subf %mul3A_50, %mul3A_51 : vector<16xf32>
    %mul3A_53 = arith.constant 0.0301022474 : f32
    %mul3A_54 = vector.broadcast %mul3A_53 : f32 to vector<16xf32>
    %mul3A_55 = arith.mulf %exp3A, %mul3A_54 : vector<16xf32>
    %add3A_56 = arith.constant -0.130117923 : f32
    %add3A_57 = vector.broadcast %add3A_56 : f32 to vector<16xf32>
    %add3A_58 = arith.addf %add3A_57, %mul3A_55 : vector<16xf32>
    %mul3A_59 = arith.mulf %exp3A, %add3A_58 : vector<16xf32>
    %add3A_60 = arith.constant 0.283302397 : f32
    %add3A_61 = vector.broadcast %add3A_60 : f32 to vector<16xf32>
    %add3A_62 = arith.addf %add3A_61, %mul3A_59 : vector<16xf32>
    %mul3A_63 = arith.mulf %exp3A, %add3A_62 : vector<16xf32>
    %add3A_64 = arith.constant -0.489155769 : f32
    %add3A_65 = vector.broadcast %add3A_64 : f32 to vector<16xf32>
    %add3A_66 = arith.addf %add3A_65, %mul3A_63 : vector<16xf32>
    %mul3A_67 = arith.mulf %exp3A, %add3A_66 : vector<16xf32>
    %add3A_68 = arith.constant 0.999010205 : f32
    %add3A_69 = vector.broadcast %add3A_68 : f32 to vector<16xf32>
    %add3A_70 = arith.addf %add3A_69, %mul3A_67 : vector<16xf32>
    %mul3A_71 = arith.mulf %exp3A, %add3A_70 : vector<16xf32>
    %add3A_72 = arith.constant 2.21327846E-5 : f32
    %add3A_73 = vector.broadcast %add3A_72 : f32 to vector<16xf32>
    %add3A_74 = arith.addf %add3A_73, %mul3A_71 : vector<16xf32>
    %add3A_75 = arith.addf %sub3A_52, %add3A_74 : vector<16xf32>
    %jit3A_76 = arith.constant 0.000000e+00 : f32
    %broadcast_in_dim3A_77 = vector.broadcast %jit3A_76 : f32 to vector<16xf32>
    %select_n3A_78 = arith.select %lt3A_32, %add3A_75, %broadcast_in_dim3A_77 : vector<16xi1>, vector<16xf32>
    %mul3A_79 = arith.mulf %select_n3A_78, %select_n3A_44 : vector<16xf32>
    %add3A_80 = arith.addf %add3A_20, %mul3A_79 : vector<16xf32>
    %add3A_81 = arith.addf %add3A_24, %select_n3A_78 : vector<16xf32>
    %add3A_82 = arith.addf %add3A_28, %select_n3A_44 : vector<16xf32>
    %add3A_83 = arith.constant 31248 : i32
    %add3A_84 = vector.broadcast %add3A_83 : i32 to vector<16xi32>
    %add3A_85 = arith.addi %add3A_84, %iota3A : vector<16xi32>
    %lt3A_86 = vector.broadcast %sub3A : i32 to vector<16xi32>
    %lt3A_87 = arith.cmpi slt, %add3A_85, %lt3A_86 : vector<16xi32>
    %get3A_88 = arith.constant 31248 : index
    %get3A_89 = tpu.vector_load %arg6[%get3A_88] {strides = array<i32>} : memref<31264xf32, #tpu.memory_space<vmem>>, vector<16xf32>,
    %get3A_90 = arith.constant 31248 : index
    %get3A_91 = tpu.vector_load %arg7[%get3A_90] {strides = array<i32>} : memref<31264xf32, #tpu.memory_space<vmem>>, vector<16xf32>,
    %get3A_92 = arith.constant 31248 : index
    %get3A_93 = tpu.vector_load %arg8[%get3A_92] {strides = array<i32>} : memref<31264xi32, #tpu.memory_space<vmem>>, vector<16xi32>,
    %convert_element_type3A_94 = arith.sitofp %get3A_93 : vector<16xi32> to vector<16xf32>
    %sub3A_95 = arith.subf %get3A_91, %get3A_89 : vector<16xf32>
    %jit3A_96 = arith.constant 0.000000e+00 : f32
    %broadcast_in_dim3A_97 = vector.broadcast %jit3A_96 : f32 to vector<16xf32>
    %select_n3A_98 = arith.select %lt3A_87, %sub3A_95, %broadcast_in_dim3A_97 : vector<16xi1>, vector<16xf32>
    %jit3A_99 = arith.constant 0.000000e+00 : f32
    %broadcast_in_dim3A_100 = vector.broadcast %jit3A_99 : f32 to vector<16xf32>
    %select_n3A_101 = arith.select %lt3A_87, %convert_element_type3A_94, %broadcast_in_dim3A_100 : vector<16xi1>, vector<16xf32>
    %abs3A_102 = math.absf %select_n3A_98 : vector<16xf32>
    %neg3A_103 = arith.constant 0.000000e+00 : f32
    %neg3A_104 = vector.broadcast %neg3A_103 : f32 to vector<16xf32>
    %neg3A_105 = arith.subf %neg3A_104, %abs3A_102 : vector<16xf32>
    %exp3A_106 = math.exp %neg3A_105 : vector<16xf32>
    %add3A_107 = arith.addf %abs3A_102, %select_n3A_98 : vector<16xf32>
    %mul3A_108 = arith.constant 5.000000e-01 : f32
    %mul3A_109 = vector.broadcast %mul3A_108 : f32 to vector<16xf32>
    %mul3A_110 = arith.mulf %mul3A_109, %add3A_107 : vector<16xf32>
    %mul3A_111 = arith.mulf %select_n3A_98, %select_n3A_101 : vector<16xf32>
    %sub3A_112 = arith.subf %mul3A_110, %mul3A_111 : vector<16xf32>
    %mul3A_113 = arith.constant 0.0301022474 : f32
    %mul3A_114 = vector.broadcast %mul3A_113 : f32 to vector<16xf32>
    %mul3A_115 = arith.mulf %exp3A_106, %mul3A_114 : vector<16xf32>
    %add3A_116 = arith.constant -0.130117923 : f32
    %add3A_117 = vector.broadcast %add3A_116 : f32 to vector<16xf32>
    %add3A_118 = arith.addf %add3A_117, %mul3A_115 : vector<16xf32>
    %mul3A_119 = arith.mulf %exp3A_106, %add3A_118 : vector<16xf32>
    %add3A_120 = arith.constant 0.283302397 : f32
    %add3A_121 = vector.broadcast %add3A_120 : f32 to vector<16xf32>
    %add3A_122 = arith.addf %add3A_121, %mul3A_119 : vector<16xf32>
    %mul3A_123 = arith.mulf %exp3A_106, %add3A_122 : vector<16xf32>
    %add3A_124 = arith.constant -0.489155769 : f32
    %add3A_125 = vector.broadcast %add3A_124 : f32 to vector<16xf32>
    %add3A_126 = arith.addf %add3A_125, %mul3A_123 : vector<16xf32>
    %mul3A_127 = arith.mulf %exp3A_106, %add3A_126 : vector<16xf32>
    %add3A_128 = arith.constant 0.999010205 : f32
    %add3A_129 = vector.broadcast %add3A_128 : f32 to vector<16xf32>
    %add3A_130 = arith.addf %add3A_129, %mul3A_127 : vector<16xf32>
    %mul3A_131 = arith.mulf %exp3A_106, %add3A_130 : vector<16xf32>
    %add3A_132 = arith.constant 2.21327846E-5 : f32
    %add3A_133 = vector.broadcast %add3A_132 : f32 to vector<16xf32>
    %add3A_134 = arith.addf %add3A_133, %mul3A_131 : vector<16xf32>
    %add3A_135 = arith.addf %sub3A_112, %add3A_134 : vector<16xf32>
    %jit3A_136 = arith.constant 0.000000e+00 : f32
    %broadcast_in_dim3A_137 = vector.broadcast %jit3A_136 : f32 to vector<16xf32>
    %select_n3A_138 = arith.select %lt3A_87, %add3A_135, %broadcast_in_dim3A_137 : vector<16xi1>, vector<16xf32>
    %mul3A_139 = arith.mulf %select_n3A_138, %select_n3A_101 : vector<16xf32>
    %add3A_140 = arith.addf %add3A_80, %mul3A_139 : vector<16xf32>
    %add3A_141 = arith.addf %add3A_81, %select_n3A_138 : vector<16xf32>
    %add3A_142 = arith.addf %add3A_82, %select_n3A_101 : vector<16xf32>
    %swap3A = arith.constant 0 : i32
    %swap3A_143 = arith.index_cast %swap3A : i32 to index
    %swap3A_144 = arith.constant 0 : index
    %swap3A_145 = tpu.vector_load %arg9[%swap3A_143, %swap3A_144] {strides = array<i32>} : memref<3x16xf32, #tpu.memory_space<vmem>>, vector<16xf32>,
    tpu.vector_store %arg9[%swap3A_143, %swap3A_144], %add3A_140 {strides = array<i32>} : memref<3x16xf32, #tpu.memory_space<vmem>>, vector<16xf32>,
    %swap3A_146 = arith.constant 1 : i32
    %swap3A_147 = arith.index_cast %swap3A_146 : i32 to index
    %swap3A_148 = arith.constant 0 : index
    %swap3A_149 = tpu.vector_load %arg9[%swap3A_147, %swap3A_148] {strides = array<i32>} : memref<3x16xf32, #tpu.memory_space<vmem>>, vector<16xf32>,
    tpu.vector_store %arg9[%swap3A_147, %swap3A_148], %add3A_141 {strides = array<i32>} : memref<3x16xf32, #tpu.memory_space<vmem>>, vector<16xf32>,
    %swap3A_150 = arith.constant 2 : i32
    %swap3A_151 = arith.index_cast %swap3A_150 : i32 to index
    %swap3A_152 = arith.constant 0 : index
    %swap3A_153 = tpu.vector_load %arg9[%swap3A_151, %swap3A_152] {strides = array<i32>} : memref<3x16xf32, #tpu.memory_space<vmem>>, vector<16xf32>,
    tpu.vector_store %arg9[%swap3A_151, %swap3A_152], %add3A_142 {strides = array<i32>} : memref<3x16xf32, #tpu.memory_space<vmem>>, vector<16xf32>,
    "tpu.region"() ({
      %run_scoped3A = tpu.sem_alloc : memref<!tpu.dma_semaphore, #tpu.memory_space<semaphore_mem>>
      %dma_start3A = arith.constant 0 : i32
      %dma_start3A_154 = arith.constant 0 : i32
      %dma_start3A_155 = tpu.memref_slice %arg5[%add3A, %dma_start3A, %dma_start3A_154] : memref<32x3x16xf32, #tpu.memory_space<hbm>> -> memref<1x3x16xf32, #tpu.memory_space<hbm>>
      %dma_start3A_156 = tpu.memref_squeeze %dma_start3A_155 : memref<1x3x16xf32, #tpu.memory_space<hbm>> -> memref<3x16xf32, #tpu.memory_space<hbm>>
      %dma_start3A_157 = arith.constant 0 : i32
      %dma_start3A_158 = arith.constant 0 : i32
      %dma_start3A_159 = tpu.memref_slice %arg5[%add3A, %dma_start3A_157, %dma_start3A_158] : memref<32x3x16xf32, #tpu.memory_space<hbm>> -> memref<1x3x16xf32, #tpu.memory_space<hbm>>
      %dma_start3A_160 = tpu.memref_squeeze %dma_start3A_159 : memref<1x3x16xf32, #tpu.memory_space<hbm>> -> memref<3x16xf32, #tpu.memory_space<hbm>>
      tpu.enqueue_dma source(%arg9 : memref<3x16xf32, #tpu.memory_space<vmem>>) target(%dma_start3A_160 : memref<3x16xf32, #tpu.memory_space<hbm>>) target_semaphore(%run_scoped3A : memref<!tpu.dma_semaphore, #tpu.memory_space<semaphore_mem>>)
      %dma_wait3A = arith.constant 0 : i32
      %dma_wait3A_161 = arith.constant 0 : i32
      %dma_wait3A_162 = tpu.memref_slice %arg5[%add3A, %dma_wait3A, %dma_wait3A_161] : memref<32x3x16xf32, #tpu.memory_space<hbm>> -> memref<1x3x16xf32, #tpu.memory_space<hbm>>
      %dma_wait3A_163 = tpu.memref_squeeze %dma_wait3A_162 : memref<1x3x16xf32, #tpu.memory_space<hbm>> -> memref<3x16xf32, #tpu.memory_space<hbm>>
      %dma_wait3A_164 = arith.constant 0 : i32
      %dma_wait3A_165 = arith.constant 0 : i32
      %dma_wait3A_166 = tpu.memref_slice %arg5[%add3A, %dma_wait3A_164, %dma_wait3A_165] : memref<32x3x16xf32, #tpu.memory_space<hbm>> -> memref<1x3x16xf32, #tpu.memory_space<hbm>>
      %dma_wait3A_167 = tpu.memref_squeeze %dma_wait3A_166 : memref<1x3x16xf32, #tpu.memory_space<hbm>> -> memref<3x16xf32, #tpu.memory_space<hbm>>
      tpu.wait_dma2 semaphore(%run_scoped3A : memref<!tpu.dma_semaphore, #tpu.memory_space<semaphore_mem>>) src(%arg9 : memref<3x16xf32, #tpu.memory_space<vmem>>) dst(%dma_wait3A_167 : memref<3x16xf32, #tpu.memory_space<hbm>>)
      tpu.yield
    }) : () -> ()
    return
  }
}

</mosaic_0001>

<sc_bundles>
// kernel: branch_0_fun.4.cloned.1.call-start
scs
__scs_entry_jumppad:
0x0: {  	(pc) =	sbr.rel $0x88, $3  }
0x1: {  	(tag) =	ssettag $0x0;
	lr =	simm.s32 $0x1  }
0x2: {  	[smem:$0x3F9F] =	sst lr;
	_ =	strace $0xD0000000  }
0x3: {  	_ = 	snop  }
0x4: {  	_ = 	snop  }
0x5: {  	_ = 	snop  }
0x6: {  	_ = 	snop  }
0x7: {  	_ = 	snop  }
__scs_overlays_trampoline_lowered:
0x8: {  	[smem:$0x3FAE] =	sst s0  }
0x9: {  	[smem:$0x3FAF] =	sst s1  }
0xa: {  	[smem:$0x3FB0] =	sst s2  }
0xb: {  	[smem:$0x3FB1] =	sst s3  }
0xc: {  	[smem:$0x3FB2] =	sst s4  }
0xd: {  	[smem:$0x3FB3] =	sst s5  }
0xe: {  	[smem:$0x3FB4] =	sst s6  }
0xf: {  	[smem:$0x3FB5] =	sst s7  }
0x10: {  	[smem:$0x3FB6] =	sst s8  }
0x11: {  	[smem:$0x3FB7] =	sst s9;
	s0 =	simm.s32 @!p0 $0x0  }
0x12: {  	s1 =	sld [smem:$0x3F9D];
	s0 =	simm.s32 @p0 $0x1  }
0x13: {  	[smem:$0x3FB8] =	sst s0;
	s0 =	simm.s32 @!p1 $0x0  }
0x14: {  	s2 =	sld [smem:$0x3F9C];
	s0 =	simm.s32 @p1 $0x1  }
0x15: {  	[smem:$0x3FB9] =	sst s0;
	s0 =	simm.s32 @!p2 $0x0  }
0x16: {  	s3 =	sld [smem:$0x3FDB];
	s0 =	simm.s32 @p2 $0x1  }
0x17: {  	s4 =	simm.s32 $0x1BF5;
	[smem:$0x3FBB] =	sst s0  }
0x18: {  	s0 =	sld [smem:$0x3F9E];
	_ =	swait.ge [sflag:s4], $0x0  }
0x19: {  	s7 =	sld [smem:$0x3F9F]  }
0x1a: {  	s8 =	sadd.s32 $0xFFFFE003, lr  }
0x1b: {  	s9 =	sadd.s32 $0xFFFFFEF7, lr;
	s5 =	simm.s32 $0xFFFFFFFF;
	p2 =	slt.u32 s8, $0xFFFFF086  }
0x1c: {  	p1 =	slt.u32 s9, $0xF7A;
	s5 =	simm.s32 @!p2 $0x0  }
0x1d: {  	s5 =	simm.s32 @p1 $0x1;
	p0 =	seq.s32 s7, s2  }
0x1e: {  	s7 =	smul.u32 @!p0 $0xF7A, s2;
	p2 =	seq.s32 @!p0 s5, $0x0  }
0x1f: {  	s9 =	smul.u32 $0xF7A, s1;
	s8 =	simm.s32 @!p0 $0x1BF5;
	p2 =	por !p2, p0  }
0x20: {  	[sflag:s8] =	ssyncset.s32 @!p0 $0xFFFFF086;
	s6 =	sadd.s32 @!p0 s3, s7;
	s7 =	simm.s32 @!p0 $0x108  }
0x21: {  	s3 =	sadd.s32 s3, s9;
	s6 =	sadd.s32 @!p0 $0x88, s6;
	s7 =	simm.s32 @p2 $0x1082  }
0x22: {  	[simem:s7], [sflag:s8] =	dma.local @!p0 [hbm:s6], $0xF7A  }
0x23: {  	s9 =	sor.u32 $0xD0000000, s2;
	s6 =	simm.s32 $0x108;
	_ =	swait.ge @!p0 [sflag:s8], $0x0  }
0x24: {  	s3 =	sadd.s32 $0x88, s3;
	s6 =	simm.s32 @!p1 $0x1082;
	[sflag:s4] =	ssyncset.s32 $0xFFFFF086  }
0x25: {  	[simem:s6], [sflag:s4] =	dma.local [hbm:s3], $0xF7A  }
0x26: {  	[smem:$0x3F9F] =	sst s1;
	(tag) =	ssettag s2;
	_ =	strace s9  }
0x27: {  	s1 =	sld [smem:$0x3FAF]  }
0x28: {  	s2 =	sld [smem:$0x3FB0]  }
0x29: {  	s4 =	sld [smem:$0x3FB2]  }
0x2a: {  	p0 =	seq.s32 s5, $0x0;
	s5 =	sld [smem:$0x3FB3]  }
0x2b: {  	s6 =	sld [smem:$0x3FB4]  }
0x2c: {  	s7 =	sld [smem:$0x3FB5]  }
0x2d: {  	s3 =	simm.s32 $0x108;
	s8 =	sld [smem:$0x3FB6]  }
0x2e: {  	s3 =	simm.s32 @!p0 $0x1082;
	s9 =	sld [smem:$0x3FB7]  }
0x2f: {  	lr =	sadd.s32 s0, s3;
	s0 =	sld [smem:$0x3FAE]  }
0x30: {  	s3 =	sld [smem:$0x3FB1]  }
0x31: {  	[smem:$0x3FBA] =	sst s10  }
0x32: {  	s10 =	sld [smem:$0x3FB8];
	_ =	sdelay $0x3  }
0x33: {  	p0 =	seq.s32 s10, $0x1;
	s10 =	sld [smem:$0x3FBA];
	_ =	sdelay $0x3  }
0x34: {  	[smem:$0x3FBA] =	sst s10  }
0x35: {  	s10 =	sld [smem:$0x3FB9];
	_ =	sdelay $0x3  }
0x36: {  	p1 =	seq.s32 s10, $0x1;
	s10 =	sld [smem:$0x3FBA];
	_ =	sdelay $0x3  }
0x37: {  	[smem:$0x3FBA] =	sst s10  }
0x38: {  	s10 =	sld [smem:$0x3FBB]  }
0x39: {  	_ = 	snop;
	(pc) =	sbr.ind lr, $3  }
0x3a: {  	_ = 	snop  }
0x3b: {  	_ = 	snop  }
0x3c: {  	p2 =	seq.s32 s10, $0x1;
	s10 =	sld [smem:$0x3FBA]  }
0x3d: {  	_ =	shalt  }
0x3e: {  	_ =	shalt  }
0x3f: {  	_ =	shalt  }
0x40: {  	_ =	shalt  }
0x41: {  	_ =	shalt  }
0x42: {  	_ =	shalt  }
0x43: {  	_ =	shalt  }
0x44: {  	_ =	shalt  }
0x45: {  	_ =	shalt  }
0x46: {  	_ =	shalt  }
0x47: {  	_ =	shalt  }
0x48: {  	_ =	shalt  }
0x49: {  	_ =	shalt  }
0x4a: {  	_ =	shalt  }
0x4b: {  	_ =	shalt  }
0x4c: {  	_ =	shalt  }
0x4d: {  	_ =	shalt  }
0x4e: {  	_ =	shalt  }
0x4f: {  	_ =	shalt  }
0x50: {  	_ =	shalt  }
0x51: {  	_ =	shalt  }
0x52: {  	_ =	shalt  }
0x53: {  	_ =	shalt  }
0x54: {  	_ =	shalt  }
0x55: {  	_ =	shalt  }
0x56: {  	_ =	shalt  }
0x57: {  	_ =	shalt  }
0x58: {  	_ =	shalt  }
0x59: {  	_ =	shalt  }
0x5a: {  	_ =	shalt  }
0x5b: {  	_ =	shalt  }
0x5c: {  	_ =	shalt  }
0x5d: {  	_ =	shalt  }
0x5e: {  	_ =	shalt  }
0x5f: {  	_ =	shalt  }
0x60: {  	_ =	shalt  }
0x61: {  	_ =	shalt  }
0x62: {  	_ =	shalt  }
0x63: {  	_ =	shalt  }
0x64: {  	_ =	shalt  }
0x65: {  	_ =	shalt  }
0x66: {  	_ =	shalt  }
0x67: {  	_ =	shalt  }
0x68: {  	_ =	shalt  }
0x69: {  	_ =	shalt  }
0x6a: {  	_ =	shalt  }
0x6b: {  	_ =	shalt  }
0x6c: {  	_ =	shalt  }
0x6d: {  	_ =	shalt  }
0x6e: {  	_ =	shalt  }
0x6f: {  	_ =	shalt  }
0x70: {  	_ =	shalt  }
0x71: {  	_ =	shalt  }
0x72: {  	_ =	shalt  }
0x73: {  	_ =	shalt  }
0x74: {  	_ =	shalt  }
0x75: {  	_ =	shalt  }
0x76: {  	_ =	shalt  }
0x77: {  	_ =	shalt  }
0x78: {  	_ =	shalt  }
0x79: {  	_ =	shalt  }
0x7a: {  	_ =	shalt  }
0x7b: {  	_ =	shalt  }
0x7c: {  	_ =	shalt  }
0x7d: {  	_ =	shalt  }
0x7e: {  	_ =	shalt  }
0x7f: {  	_ =	shalt  }
0x80: {  	_ =	shalt  }
0x81: {  	_ =	shalt  }
0x82: {  	_ =	shalt  }
0x83: {  	_ =	shalt  }
0x84: {  	_ =	shalt  }
0x85: {  	_ =	shalt  }
0x86: {  	_ =	shalt  }
0x87: {  	_ =	shalt  }
.Lfunc_end0:
.L_simem_size_0:
called_computation_lowered:
.L_overlay_start_0:
0x88: {  	s2 =	sld [smem:$0x3FD9]  }
0x89: {  	s3 =	sld [smem:$0x3FFE];
	_ =	sdelay $0x1  }
0x8a: {  	s1 =	srdreg.scid  }
0x8b: {  	s0 =	sand.u32 $0x1, s1  }
0x8c: {  	s16 =	sshll.u32 s0, $0xA;
	s2 =	sadd.s32 s3, s2  }
0x8d: {  	s2 =	sadd.s32 s2, s16  }
0x8e: {  	[smem:$0x3FC6] =	sst s2  }
0x8f: {  	_ = 	snop  }
0x90: {  	(tm) =	ssettm $0x1  }
0x91: {  	s17 =	sld [smem:$0x3FFB];
	_ =	sdelay $0x3  }
0x92: {  	_ =	strace s17  }
0x93: {  	s2 =	sld [smem:$0x3FFC];
	_ =	sdelay $0x3  }
0x94: {  	_ =	strace s2  }
0x95: {  	s2 =	sld [smem:$0x3FFD];
	_ =	sdelay $0x3  }
0x96: {  	_ =	strace s2  }
0x97: {  	_ =	strace $0x8FFFFFFF  }
0x98: {  	s18 =	sld [smem:$0x3FDB];
	_ =	sdelay $0x1  }
0x99: {  	s19 =	simm.s32 $_scs_section_size  }
0x9a: {  	s4 =	simm.s32 $_size__tile_overlayer_lowered;
	s5 =	simm.s32 $_tile_overlayer_lowered  }
0x9b: {  	s22 =	simm.s32 $0x1BFF;
	s21 =	sshll.u32 s5, $0x1;
	s2 =	sadd.s32 s19, s18  }
0x9c: {  	s6 =	simm.s32 $0x0;
	s20 =	sshll.u32 s4, $0x1;
	s4 =	sadd.s32 s21, s2  }
0x9d: {  	[timem:s6], [sflag:s22] =	dma.local [hbm:s4], s20  }
0x9e: {  	_ =	swait.ge [sflag:s22], s20  }
0x9f: {  	s3 =	ssub.s32 $0x0, s20;
	[sflag:s22] =	ssyncset.done $0x0  }
0xa0: {  	[sflag:s22] =	ssyncadd.s32 s3;
	_ =	sdelay $0x1  }
0xa1: {  	s23 =	simm.s32 $0x1B8B  }
0xa2: {  	_ =	swait.ge [sflag:s23], $0x1  }
0xa3: {  	[sflag:s23] =	ssyncset.done $0x0  }
0xa4: {  	s25 =	simm.s32 $0x1B8E;
	s24 =	sld [smem:$0x3FFE];
	[sflag:s23] =	ssyncadd.s32 $0xFFFFFFFF  }
0xa5: {  	s26 =	simm.s32 $execute0_lowered;
	[smem:$0x3FD2] =	sst s25  }
0xa6: {  	s4 =	sshll.u32 s26, $0x1;
	_ =	strace $0x80000046;
	[dreg:$0x1] =	wrdreg $0xFFFFFFFF  }
0xa7: {  	s28 =	simm.s32 $_size_execute0_lowered;
	s2 =	sadd.s32 s2, s4;
	[dreg:$0x0] =	wrdreg $0x0  }
0xa8: {  	s4 =	sshll.u32 s28, $0x1;
	[dreg:$0x2] =	wrdreg s2  }
0xa9: {  	[dreg:$0x3] =	wrdreg s4  }
0xaa: {  	[dreg:$0x4] =	wrdreg $0xC0  }
0xab: {  	_ =	task [dreg:s6], $0x5FFFF  }
0xac: {  	[dreg:$0x1] =	wrdreg $0xFFFFFFFF  }
0xad: {  	[dreg:$0x0] =	wrdreg $0x60  }
0xae: {  	[dreg:$0x2] =	wrdreg s24  }
0xaf: {  	[dreg:$0x3] =	wrdreg $0x9  }
0xb0: {  	_ =	task.clear_ibuf [dreg:s6], $0x4FFFF;
	_ =	strace $0x90000046  }
0xb1: {  	s29 =	simm.s32 $0x9;
	_ =	strace $0x80000048  }
0xb2: {  	_ =	swait.ge [sflag:s29], $0x1  }
0xb3: {  	[sflag:s29] =	ssyncadd.s32 $0xFFFFFFFF  }
0xb4: {  	_ =	strace $0x90000048  }
0xb5: {  	_ =	sfence  }
0xb6: {  	s30 =	sld [smem:$0x0];
	_ =	sdelay $0x2  }
0xb7: {  	s31 =	sshll.u32 s1, $0xD;
	s1 =	sshrl.u32 s1, $0x2  }
0xb8: {  	s3 =	sand.u32 $0x4000, s31;
	s1 =	sadd.s32 s1, s30  }
0xb9: {  	s0 =	sor.u32 s3, s0;
	s1 =	sshll.u32 s1, $0x11  }
0xba: {  	s0 =	sor.u32 s1, s0  }
0xbb: {  	s0 =	sadd.s32 $0x8F2B, s0  }
0xbc: {  	[sflag:s0] =	ssyncadd.remote.s32 $0x1  }
0xbd: {  	_ =	sfence.sel $0xFFFF  }
0xbe: {  	[dreg:$0x0] =	wrdreg $0xFFFFFFFF;
	(pc) =	sbr.abs _section_cstart, $3  }
0xbf: {  	[dreg:$0x1] =	wrdreg $0xFFFFFFFF  }
0xc0: {  	_ =	task.clear_ibuf [dreg:s6], $0x2FFFF;
	_ =	strace $0x9FFFFFFF  }
0xc1: {  	(tm) =	ssettm $0x7FFFFFFF  }
tec
execute0_lowered:
.L_overlay_start_1:
0x0: {  	(tag) =	ssettag $0x1  }
0x1: {  	s1 =	rddreg [dreg:$0x0]  }
0x2: {  	s0 =	rddreg [dreg:$0x1];
	s3 =	simm.s32 $0x0;
	s6 =	srdreg.scid  }
0x3: {  	s2 =	stileid.u32;
	s12 =	simm.s32 $0x1000;
	s13 =	simm.s32 $0x2000  }
0x4: {  	s14 =	simm.s32 $0x3000;
	s15 =	simm.s32 $0x7000;
	s16 =	simm.s32 $0x0  }
0x5: {  	[smem:$0x7FF] =	sst s3;
	s4 =	sadd.s32 $0x1EA00, s1;
	s8 =	sshll.u32 s2, $0x4  }
0x6: {  	s7 =	sshll.u32 s6, $0x8;
	s5 =	sadd.s32 $0x3D400, s1;
	s6 =	sand.u32 $0x1, s6  }
0x7: {  	_ =	strace $0x80000047;
	s7 =	sor.u32 s8, s7;
	s9 =	ssub.s32 $0x2, s6  }
0x8: {  	s6 =	sshll.u32 s6, $0x4;
	s8 =	sand.u32 $0x70, s8;
	s7 =	sand.u32 $0x180, s7  }
0x9: {  	s11 =	sshrl.u32 s9, $0x1;
	s6 =	sor.u32 s2, s6;
	s10 =	sadd.s32 s7, s1  }
0xa: {  	p0 =	slt.u32 s6, $0x1A;
	s7 =	simm.s32 $0x8;
	s9 =	ssub.s32 s9, s11  }
0xb: {  	s11 =	simm.s32 $0x1;
	s7 =	simm.s32 @!p0 $0x7;
	s10 =	sadd.s32 s8, s10  }
0xc: {  	v0 =	vimm.f32 $0.0e+00;
	v1 =	vimm.f32 $1.000000000e+00;
	s8 =	smax.u32 s9, $0x1;
	s9 =	sadd.s32 $0x6CE00, s10;
	s10 =	sadd.s32 $0x5CE00, s10  }
.LBB2_1:
0xd: {  	s17 =	simm.s32 $0x200;
	s18 =	simm.s32 $0x0  }
.LBB2_2:
0xe: {  	p0 =	sne.s32 s17, $0xFE00;
	[tilespmem:s18+$0x3000] =	vst v0;
	s19 =	smov.u32 s17;
	s17 =	sadd.s32 $0x200, s17  }
.Ltmp0:
0xf: {  	[tilespmem:s18+$0x7000] =	vst v0;
	(pc) =	sbr.rel @p0 .LBB2_2-.Ltmp0, $2  }
0x10: {  	_ =	sdelay $0x2  }
0x11: {  	s18 =	sshra.s32 s19, $0x2  }
0x12: {  	[tilespmem:s18+$0x3000] =	vst v0  }
0x13: {  	s17 =	simm.s32 $0x0;
	[tilespmem:s18+$0x7000] =	vst v0;
	s18 =	simm.s32 $0x0  }
.LBB2_4:
0x14: {  	s19 =	sshll.u32 s18, $0x5  }
0x15: {  	s19 =	sor.u32 s6, s19  }
0x16: {  	s19 =	smul.u32 $0xFA0, s19;
	_ =	sdelay $0x1  }
0x17: {  	s19 =	sshrl.u32 s19, $0x3  }
0x18: {  	s20 =	sadd.s32 s4, s19  }
0x19: {  	[tilespmem:s17], [sflag:$0x1] =	stream.linear.gather [hbm4b:s20+s17], $0xFA0, $0x38;
	[tilespmem:$0xB000] =	vst v63  }
0x1a: {  	_ =	swait.ge [sflag:s11], $0xFA0  }
0x1b: {  	[sflag:s11] =	ssyncset.done $0x0  }
0x1c: {  	s30 =	sadd.s32 s1, s19;
	[sflag:s11] =	ssyncadd.s32 $0xFFFFF060  }
0x1d: {  	[tilespmem:s12], [sflag:$0x1] =	stream.linear.gather [hbm4b:s30+s17], $0xFA0, $0x38;
	[tilespmem:$0xB000] =	vst v63  }
0x1e: {  	_ =	swait.ge [sflag:s11], $0xFA0  }
0x1f: {  	[sflag:s11] =	ssyncset.done $0x0  }
0x20: {  	s19 =	sadd.s32 s5, s19;
	[sflag:s11] =	ssyncadd.s32 $0xFFFFF060  }
0x21: {  	[tilespmem:s13], [sflag:$0x1] =	stream.linear.gather [hbm4b:s19+s17], $0xFA0, $0x38;
	[tilespmem:$0xB000] =	vst v63  }
0x22: {  	_ =	swait.ge [sflag:s11], $0xFA0  }
0x23: {  	[sflag:s11] =	ssyncset.done $0x0  }
0x24: {  	s31 =	simm.s32 $0x0;
	[sflag:s11] =	ssyncadd.s32 $0xFFFFF060  }
0x25: {  	v2 =	vld [tilespmem:s31+$0x0]  }
0x26: {  	v3 =	vld [tilespmem:s31+$0x1000];
	_ =	sdelay $0x4  }
0x27: {  	v3 =	vsub.f32 v3, v2;
	_ =	sdelay $0x1  }
0x28: {  	v4 =	vand.u32 $0x7FFFFFFF, v3  }
0x29: {  	v2 =	vsub.f32 $0.0e+00, v4;
	_ =	sdelay $0x1  }
0x2a: {  	v2 =	vmul.f32 $1.442695020e+00, v2;
	_ =	sdelay $0x1  }
0x2b: {  	(erf) = vpow2.f32 v2;
	_ =	sdelay $0x8  }
0x2c: {  	v5 =	vpop (erf)  }
0x2d: {  	v2 =	vmul.f32 $3.010224740e-02, v5;
	_ =	sdelay $0x1  }
0x2e: {  	v2 =	vadd.f32 $-1.301179230e-01, v2;
	_ =	sdelay $0x1  }
0x2f: {  	v6 =	vadd.f32 $1.800000000e+01, v3;
	v2 =	vmul.f32 v2, v5;
	_ =	sdelay $0x1  }
0x30: {  	v6 =	vmul.f32 $5.688888930e+01, v6;
	v2 =	vadd.f32 $2.833023970e-01, v2;
	_ =	sdelay $0x1  }
0x31: {  	v7 =	vld [tilespmem:s31+$0x2000];
	v6 =	vmax.f32 v6, $0.0e+00;
	v2 =	vmul.f32 v2, v5  }
0x32: {  	v6 =	vmin.f32 v6, $2.047000000e+03  }
0x33: {  	v6 =	vtrunc.f32 v6;
	v2 =	vadd.f32 $-4.891557690e-01, v2  }
0x34: {  	v6 =	vcvt.f32.s32 v6  }
0x35: {  	v2 =	vmul.f32 v2, v5  }
0x36: {  	vm0 =	veq.s32 v7, $0x0;
	v63 =	vshll.u32 v6, $0x3  }
0x37: {  	v7 =	vand.u32 $0xFFFFFF80, v63;
	v8 =	vadd.f32 $9.990102050e-01, v2;
	v2 =	vand.u32 $0xF, v6  }
0x38: {  	v2 =	vor.u32 v2, v7  }
0x39: {  	v3 =	vadd.f32 v4, v3;
	v4 =	vmul.f32 v8, v5;
	_ =	sdelay $0x1  }
0x3a: {  	v3 =	vmul.f32 $5.000000000e-01, v3;
	v4 =	vadd.f32 $2.213278460e-05, v4;
	_ =	sdelay $0x1  }
0x3b: {  	s19 =	simm.s32 $0x40;
	v3 =	vadd.f32 v4, v3;
	[tilespmem:v2+s14+$0x0] =	vst.idx.add.f32.msk vm0, v1  }
.LBB2_5:
0x3c: {  	p0 =	sne.s32 s19, $0x3E40;
	s20 =	smov.u32 s19;
	s19 =	sadd.s32 $0x40, s19  }
0x3d: {  	s20 =	sshra.s32 s20, $0x2;
	[tilespmem:v2+s15+$0x0] =	vst.idx.add.f32.msk vm0, v3  }
0x3e: {  	v2 =	vld [tilespmem:s20+$0x0]  }
0x3f: {  	v3 =	vld [tilespmem:s20+$0x1000];
	_ =	sdelay $0x4  }
0x40: {  	v2 =	vsub.f32 v3, v2;
	_ =	sdelay $0x1  }
0x41: {  	v3 =	vand.u32 $0x7FFFFFFF, v2;
	v4 =	vadd.f32 $1.800000000e+01, v2  }
0x42: {  	v5 =	vadd.f32 v3, v2;
	v2 =	vsub.f32 $0.0e+00, v3  }
0x43: {  	v3 =	vmul.f32 $5.688888930e+01, v4  }
0x44: {  	v2 =	vmul.f32 $1.442695020e+00, v2  }
0x45: {  	v3 =	vmax.f32 v3, $0.0e+00  }
0x46: {  	v3 =	vmin.f32 v3, $2.047000000e+03;
	(erf) = vpow2.f32 v2  }
0x47: {  	v2 =	vtrunc.f32 v3  }
0x48: {  	v2 =	vcvt.f32.s32 v2;
	_ =	sdelay $0x1  }
0x49: {  	v3 =	vshll.u32 v2, $0x3  }
0x4a: {  	v3 =	vand.u32 $0xFFFFFF80, v3;
	_ =	sdelay $0x3  }
0x4b: {  	v4 =	vpop (erf)  }
0x4c: {  	v6 =	vmul.f32 $3.010224740e-02, v4;
	_ =	sdelay $0x1  }
0x4d: {  	v6 =	vadd.f32 $-1.301179230e-01, v6;
	_ =	sdelay $0x1  }
0x4e: {  	v6 =	vmul.f32 v6, v4;
	_ =	sdelay $0x1  }
0x4f: {  	v6 =	vadd.f32 $2.833023970e-01, v6;
	_ =	sdelay $0x1  }
0x50: {  	v6 =	vmul.f32 v6, v4  }
0x51: {  	v7 =	vld [tilespmem:s20+$0x2000]  }
0x52: {  	v6 =	vadd.f32 $-4.891557690e-01, v6;
	_ =	sdelay $0x1  }
0x53: {  	v6 =	vmul.f32 v6, v4;
	_ =	sdelay $0x1  }
0x54: {  	v2 =	vand.u32 $0xF, v2;
	vm0 =	veq.s32 v7, $0x0;
	v6 =	vadd.f32 $9.990102050e-01, v6  }
0x55: {  	v2 =	vor.u32 v2, v3  }
.Ltmp1:
0x56: {  	v3 =	vmul.f32 v6, v4;
	(pc) =	sbr.rel @p0 .LBB2_5-.Ltmp1, $3  }
0x57: {  	v4 =	vmul.f32 $5.000000000e-01, v5  }
0x58: {  	v3 =	vadd.f32 $2.213278460e-05, v3;
	_ =	sdelay $0x1  }
0x59: {  	v3 =	vadd.f32 v3, v4;
	[tilespmem:v2+s14+$0x0] =	vst.idx.add.f32.msk vm0, v1  }
0x5a: {  	s18 =	sadd.s32 $0x1, s18  }
0x5b: {  	p0 =	sne.s32 s18, s7  }
.Ltmp2:
0x5c: {  	_ = 	snop;
	(pc) =	sbr.rel @p0 .LBB2_4-.Ltmp2, $2  }
0x5d: {  	_ =	sdelay $0x2  }
0x5e: {  	[tilespmem:v2+s15+$0x0] =	vst.idx.add.f32.msk vm0, v3  }
0x5f: {  	s17 =	sadd.s32 $0x0, s10;
	s18 =	simm.s32 $0x3000  }
0x60: {  	[hbm4b:s17+s3] =	stream.linear.scatter [tilespmem:s18], [sflag:$0x1], $0x80, $0x38;
	[tilespmem:$0xB000] =	vst v63  }
0x61: {  	_ =	swait.ge [sflag:s11], $0x80  }
0x62: {  	[sflag:s11] =	ssyncset.done $0x0  }
0x63: {  	s30 =	sadd.s32 $0x0, s9;
	s31 =	simm.s32 $0x7000;
	[sflag:s11] =	ssyncadd.s32 $0xFFFFFF80  }
0x64: {  	[hbm4b:s30+s3] =	stream.linear.scatter [tilespmem:s31], [sflag:$0x1], $0x80, $0x38;
	[tilespmem:$0xB000] =	vst v63  }
0x65: {  	s20 =	sadd.s32 $0x200, s10;
	s19 =	simm.s32 $0x400;
	_ =	swait.ge [sflag:s11], $0x80  }
0x66: {  	s17 =	simm.s32 $0x200;
	s18 =	simm.s32 $0x80;
	[sflag:s11] =	ssyncset.done $0x0  }
.LBB2_8:
0x67: {  	s21 =	sadd.s32 s19, s10  }
0x68: {  	s22 =	sadd.s32 $0x3000, s18;
	[sflag:s11] =	ssyncadd.s32 $0xFFFFFF80;
	s23 =	smov.u32 s19  }
0x69: {  	[hbm4b:s20+s3] =	stream.linear.scatter [tilespmem:s22], [sflag:$0x1], $0x80, $0x38;
	[tilespmem:$0xB000] =	vst v63  }
0x6a: {  	p0 =	sne.s32 s19, $0xFE00;
	s19 =	sadd.s32 $0x200, s19;
	_ =	swait.ge [sflag:s11], $0x80  }
.Ltmp3:
0x6b: {  	s20 =	smov.u32 s21;
	[sflag:s11] =	ssyncset.done $0x0;
	(pc) =	sbr.rel @p0 .LBB2_8-.Ltmp3, $4  }
0x6c: {  	s17 =	sadd.s32 s17, s9;
	s18 =	sadd.s32 $0x7000, s18;
	[sflag:s11] =	ssyncadd.s32 $0xFFFFFF80  }
0x6d: {  	[hbm4b:s17+s3] =	stream.linear.scatter [tilespmem:s18], [sflag:$0x1], $0x80, $0x38;
	[tilespmem:$0xB000] =	vst v63  }
0x6e: {  	s17 =	smov.u32 s23;
	_ =	swait.ge [sflag:s11], $0x80  }
0x6f: {  	s18 =	sshra.s32 s17, $0x2;
	[sflag:s11] =	ssyncset.done $0x0  }
0x70: {  	s19 =	sadd.s32 $0x3000, s18;
	[sflag:s11] =	ssyncadd.s32 $0xFFFFFF80  }
0x71: {  	[hbm4b:s20+s3] =	stream.linear.scatter [tilespmem:s19], [sflag:$0x1], $0x80, $0x38;
	[tilespmem:$0xB000] =	vst v63  }
0x72: {  	s16 =	sadd.s32 $0x1, s16;
	_ =	swait.ge [sflag:s11], $0x80  }
0x73: {  	s17 =	sadd.s32 s17, s9;
	p0 =	sne.s32 s16, s8;
	[sflag:s11] =	ssyncset.done $0x0  }
.Ltmp4:
0x74: {  	s31 =	sadd.s32 $0x7000, s18;
	[sflag:s11] =	ssyncadd.s32 $0xFFFFFF80;
	(pc) =	sbr.rel @p0 .LBB2_1-.Ltmp4, $4  }
0x75: {  	[hbm4b:s17+s3] =	stream.linear.scatter [tilespmem:s31], [sflag:$0x1], $0x80, $0x38;
	[tilespmem:$0xB000] =	vst v63  }
0x76: {  	_ =	swait.ge [sflag:s11], $0x80  }
0x77: {  	[sflag:s11] =	ssyncset.done $0x0  }
0x78: {  	[sflag:s11] =	ssyncadd.s32 $0xFFFFFF80  }
0x79: {  	_ =	sfence.sel $0x180000  }
0x7a: {  	[bflag:$0x0] =	sbarrier.arrive $0xFFFF  }
0x7b: {  	p0 =	sne.s32 s2, $0x0;
	_ =	strace $0x90000047  }
0x7c: {  	s0 =	sadd.s32 @!p0 $0x100000, s0;
	[bflag:$0x2] =	sbarrier.arrive $0xFFFF  }
0x7d: {  	[sflag:s0] =	ssyncadd.tile.s32 @!p0 $0x1;
	_ =	shalt  }
.Lfunc_end2:
_tile_overlayer_lowered:
.L_overlay_start_2:
0x7e: {  	(tag) =	ssettag $0x2  }
0x7f: {  	s0 =	rddreg [dreg:$0x0];
	s2 =	stileid.u32  }
0x80: {  	s1 =	rddreg [dreg:$0x1];
	p0 =	sne.s32 s2, $0x0  }
0x81: {  	s3 =	rddreg [dreg:$0x2];
	[bflag:$0x3] =	sbarrier.arrive $0xFFFF;
	s2 =	simm.s32 @!p0 $0x1C01  }
0x82: {  	[timem:s3], [sflag:s2] =	dma.local @!p0 [hbm:s0], s1  }
0x83: {  	s0 =	simm.s32 @!p0 $0x1  }
0x84: {  	_ =	swait.ge @!p0 [sflag:s0], s1  }
0x85: {  	s1 =	ssub.s32 @!p0 $0x0, s1;
	[sflag:s0] =	ssyncset.done @!p0 $0x0  }
0x86: {  	[sflag:s0] =	ssyncadd.s32 @!p0 s1  }
0x87: {  	[bflag:$0x3] =	sbarrier.arrive $0xFFFF  }
0x88: {  	_ =	shalt  }

// kernel: branch_0_fun.7.cloned.1.call-start
scs
__scs_entry_jumppad:
0x0: {  	(pc) =	sbr.rel $0x88, $3  }
0x1: {  	(tag) =	ssettag $0x0;
	lr =	simm.s32 $0x1  }
0x2: {  	[smem:$0x3F9F] =	sst lr;
	_ =	strace $0xD0000000  }
0x3: {  	_ = 	snop  }
0x4: {  	_ = 	snop  }
0x5: {  	_ = 	snop  }
0x6: {  	_ = 	snop  }
0x7: {  	_ = 	snop  }
__scs_overlays_trampoline_lowered:
0x8: {  	[smem:$0x3FAE] =	sst s0  }
0x9: {  	[smem:$0x3FAF] =	sst s1  }
0xa: {  	[smem:$0x3FB0] =	sst s2  }
0xb: {  	[smem:$0x3FB1] =	sst s3  }
0xc: {  	[smem:$0x3FB2] =	sst s4  }
0xd: {  	[smem:$0x3FB3] =	sst s5  }
0xe: {  	[smem:$0x3FB4] =	sst s6  }
0xf: {  	[smem:$0x3FB5] =	sst s7  }
0x10: {  	[smem:$0x3FB6] =	sst s8  }
0x11: {  	[smem:$0x3FB7] =	sst s9;
	s0 =	simm.s32 @!p0 $0x0  }
0x12: {  	s1 =	sld [smem:$0x3F9D];
	s0 =	simm.s32 @p0 $0x1  }
0x13: {  	[smem:$0x3FB8] =	sst s0;
	s0 =	simm.s32 @!p1 $0x0  }
0x14: {  	s2 =	sld [smem:$0x3F9C];
	s0 =	simm.s32 @p1 $0x1  }
0x15: {  	[smem:$0x3FB9] =	sst s0;
	s0 =	simm.s32 @!p2 $0x0  }
0x16: {  	s3 =	sld [smem:$0x3FDB];
	s0 =	simm.s32 @p2 $0x1  }
0x17: {  	s4 =	simm.s32 $0x1BF5;
	[smem:$0x3FBB] =	sst s0  }
0x18: {  	s0 =	sld [smem:$0x3F9E];
	_ =	swait.ge [sflag:s4], $0x0  }
0x19: {  	s7 =	sld [smem:$0x3F9F]  }
0x1a: {  	s8 =	sadd.s32 $0xFFFFE003, lr  }
0x1b: {  	s9 =	sadd.s32 $0xFFFFFEF7, lr;
	s5 =	simm.s32 $0xFFFFFFFF;
	p2 =	slt.u32 s8, $0xFFFFF086  }
0x1c: {  	p1 =	slt.u32 s9, $0xF7A;
	s5 =	simm.s32 @!p2 $0x0  }
0x1d: {  	s5 =	simm.s32 @p1 $0x1;
	p0 =	seq.s32 s7, s2  }
0x1e: {  	s7 =	smul.u32 @!p0 $0xF7A, s2;
	p2 =	seq.s32 @!p0 s5, $0x0  }
0x1f: {  	s9 =	smul.u32 $0xF7A, s1;
	s8 =	simm.s32 @!p0 $0x1BF5;
	p2 =	por !p2, p0  }
0x20: {  	[sflag:s8] =	ssyncset.s32 @!p0 $0xFFFFF086;
	s6 =	sadd.s32 @!p0 s3, s7;
	s7 =	simm.s32 @!p0 $0x108  }
0x21: {  	s3 =	sadd.s32 s3, s9;
	s6 =	sadd.s32 @!p0 $0x88, s6;
	s7 =	simm.s32 @p2 $0x1082  }
0x22: {  	[simem:s7], [sflag:s8] =	dma.local @!p0 [hbm:s6], $0xF7A  }
0x23: {  	s9 =	sor.u32 $0xD0000000, s2;
	s6 =	simm.s32 $0x108;
	_ =	swait.ge @!p0 [sflag:s8], $0x0  }
0x24: {  	s3 =	sadd.s32 $0x88, s3;
	s6 =	simm.s32 @!p1 $0x1082;
	[sflag:s4] =	ssyncset.s32 $0xFFFFF086  }
0x25: {  	[simem:s6], [sflag:s4] =	dma.local [hbm:s3], $0xF7A  }
0x26: {  	[smem:$0x3F9F] =	sst s1;
	(tag) =	ssettag s2;
	_ =	strace s9  }
0x27: {  	s1 =	sld [smem:$0x3FAF]  }
0x28: {  	s2 =	sld [smem:$0x3FB0]  }
0x29: {  	s4 =	sld [smem:$0x3FB2]  }
0x2a: {  	p0 =	seq.s32 s5, $0x0;
	s5 =	sld [smem:$0x3FB3]  }
0x2b: {  	s6 =	sld [smem:$0x3FB4]  }
0x2c: {  	s7 =	sld [smem:$0x3FB5]  }
0x2d: {  	s3 =	simm.s32 $0x108;
	s8 =	sld [smem:$0x3FB6]  }
0x2e: {  	s3 =	simm.s32 @!p0 $0x1082;
	s9 =	sld [smem:$0x3FB7]  }
0x2f: {  	lr =	sadd.s32 s0, s3;
	s0 =	sld [smem:$0x3FAE]  }
0x30: {  	s3 =	sld [smem:$0x3FB1]  }
0x31: {  	[smem:$0x3FBA] =	sst s10  }
0x32: {  	s10 =	sld [smem:$0x3FB8];
	_ =	sdelay $0x3  }
0x33: {  	p0 =	seq.s32 s10, $0x1;
	s10 =	sld [smem:$0x3FBA];
	_ =	sdelay $0x3  }
0x34: {  	[smem:$0x3FBA] =	sst s10  }
0x35: {  	s10 =	sld [smem:$0x3FB9];
	_ =	sdelay $0x3  }
0x36: {  	p1 =	seq.s32 s10, $0x1;
	s10 =	sld [smem:$0x3FBA];
	_ =	sdelay $0x3  }
0x37: {  	[smem:$0x3FBA] =	sst s10  }
0x38: {  	s10 =	sld [smem:$0x3FBB]  }
0x39: {  	_ = 	snop;
	(pc) =	sbr.ind lr, $3  }
0x3a: {  	_ = 	snop  }
0x3b: {  	_ = 	snop  }
0x3c: {  	p2 =	seq.s32 s10, $0x1;
	s10 =	sld [smem:$0x3FBA]  }
0x3d: {  	_ =	shalt  }
0x3e: {  	_ =	shalt  }
0x3f: {  	_ =	shalt  }
0x40: {  	_ =	shalt  }
0x41: {  	_ =	shalt  }
0x42: {  	_ =	shalt  }
0x43: {  	_ =	shalt  }
0x44: {  	_ =	shalt  }
0x45: {  	_ =	shalt  }
0x46: {  	_ =	shalt  }
0x47: {  	_ =	shalt  }
0x48: {  	_ =	shalt  }
0x49: {  	_ =	shalt  }
0x4a: {  	_ =	shalt  }
0x4b: {  	_ =	shalt  }
0x4c: {  	_ =	shalt  }
0x4d: {  	_ =	shalt  }
0x4e: {  	_ =	shalt  }
0x4f: {  	_ =	shalt  }
0x50: {  	_ =	shalt  }
0x51: {  	_ =	shalt  }
0x52: {  	_ =	shalt  }
0x53: {  	_ =	shalt  }
0x54: {  	_ =	shalt  }
0x55: {  	_ =	shalt  }
0x56: {  	_ =	shalt  }
0x57: {  	_ =	shalt  }
0x58: {  	_ =	shalt  }
0x59: {  	_ =	shalt  }
0x5a: {  	_ =	shalt  }
0x5b: {  	_ =	shalt  }
0x5c: {  	_ =	shalt  }
0x5d: {  	_ =	shalt  }
0x5e: {  	_ =	shalt  }
0x5f: {  	_ =	shalt  }
0x60: {  	_ =	shalt  }
0x61: {  	_ =	shalt  }
0x62: {  	_ =	shalt  }
0x63: {  	_ =	shalt  }
0x64: {  	_ =	shalt  }
0x65: {  	_ =	shalt  }
0x66: {  	_ =	shalt  }
0x67: {  	_ =	shalt  }
0x68: {  	_ =	shalt  }
0x69: {  	_ =	shalt  }
0x6a: {  	_ =	shalt  }
0x6b: {  	_ =	shalt  }
0x6c: {  	_ =	shalt  }
0x6d: {  	_ =	shalt  }
0x6e: {  	_ =	shalt  }
0x6f: {  	_ =	shalt  }
0x70: {  	_ =	shalt  }
0x71: {  	_ =	shalt  }
0x72: {  	_ =	shalt  }
0x73: {  	_ =	shalt  }
0x74: {  	_ =	shalt  }
0x75: {  	_ =	shalt  }
0x76: {  	_ =	shalt  }
0x77: {  	_ =	shalt  }
0x78: {  	_ =	shalt  }
0x79: {  	_ =	shalt  }
0x7a: {  	_ =	shalt  }
0x7b: {  	_ =	shalt  }
0x7c: {  	_ =	shalt  }
0x7d: {  	_ =	shalt  }
0x7e: {  	_ =	shalt  }
0x7f: {  	_ =	shalt  }
0x80: {  	_ =	shalt  }
0x81: {  	_ =	shalt  }
0x82: {  	_ =	shalt  }
0x83: {  	_ =	shalt  }
0x84: {  	_ =	shalt  }
0x85: {  	_ =	shalt  }
0x86: {  	_ =	shalt  }
0x87: {  	_ =	shalt  }
.Lfunc_end0:
.L_simem_size_0:
called_computation.1_lowered:
.L_overlay_start_0:
0x88: {  	s0 =	sld [smem:$0x3FD9]  }
0x89: {  	s1 =	sld [smem:$0x3FFE];
	_ =	sdelay $0x3  }
0x8a: {  	s0 =	sadd.s32 s1, s0  }
0x8b: {  	[smem:$0x3FC6] =	sst s0  }
0x8c: {  	_ = 	snop  }
0x8d: {  	s0 =	sld [smem:$0x3FD0];
	(tm) =	ssettm $0x1  }
0x8e: {  	s16 =	sld [smem:$0x3FFB];
	_ =	sdelay $0x3  }
0x8f: {  	_ =	strace s16  }
0x90: {  	s1 =	sld [smem:$0x3FFC];
	_ =	sdelay $0x3  }
0x91: {  	_ =	strace s1  }
0x92: {  	s1 =	sld [smem:$0x3FFD];
	_ =	sdelay $0x3  }
0x93: {  	_ =	strace s1  }
0x94: {  	_ =	strace $0x8FFFFFFF  }
0x95: {  	s17 =	sld [smem:$0x3FDB];
	_ =	sdelay $0x1  }
0x96: {  	s2 =	simm.s32 $_scs_section_size  }
0x97: {  	s3 =	simm.s32 $_size__tile_overlayer_lowered;
	s4 =	simm.s32 $_tile_overlayer_lowered  }
0x98: {  	s20 =	simm.s32 $0x1BFF;
	s19 =	sshll.u32 s4, $0x1;
	s1 =	sadd.s32 s2, s17  }
0x99: {  	s5 =	simm.s32 $0x0;
	s18 =	sshll.u32 s3, $0x1;
	s3 =	sadd.s32 s19, s1  }
0x9a: {  	[timem:s5], [sflag:s20] =	dma.local [hbm:s3], s18  }
0x9b: {  	_ =	swait.ge [sflag:s20], s18  }
0x9c: {  	s2 =	ssub.s32 $0x0, s18;
	[sflag:s20] =	ssyncset.done $0x0  }
0x9d: {  	[sflag:s20] =	ssyncadd.s32 s2;
	_ =	sdelay $0x1  }
0x9e: {  	s21 =	simm.s32 $0x1B8B  }
0x9f: {  	_ =	swait.ge [sflag:s21], $0x1  }
0xa0: {  	[sflag:s21] =	ssyncset.done $0x0  }
0xa1: {  	s23 =	simm.s32 $0x1B8E;
	s22 =	sld [smem:$0x3FFE];
	[sflag:s21] =	ssyncadd.s32 $0xFFFFFFFF  }
0xa2: {  	s24 =	simm.s32 $execute0_lowered;
	[smem:$0x3FD2] =	sst s23  }
0xa3: {  	s3 =	sshll.u32 s24, $0x1;
	_ =	strace $0x80000049;
	[dreg:$0x1] =	wrdreg $0xFFFFFFFF  }
0xa4: {  	s25 =	simm.s32 $_size_execute0_lowered;
	s1 =	sadd.s32 s1, s3;
	[dreg:$0x0] =	wrdreg $0x0  }
0xa5: {  	s3 =	sshll.u32 s25, $0x1;
	[dreg:$0x2] =	wrdreg s1  }
0xa6: {  	[dreg:$0x3] =	wrdreg s3  }
0xa7: {  	[dreg:$0x4] =	wrdreg $0xC0  }
0xa8: {  	_ =	task [dreg:s5], $0x5FFFF  }
0xa9: {  	[dreg:$0x1] =	wrdreg $0xFFFFFFFF  }
0xaa: {  	[dreg:$0x0] =	wrdreg $0x60  }
0xab: {  	[dreg:$0x2] =	wrdreg s22  }
0xac: {  	[dreg:$0x3] =	wrdreg s0  }
0xad: {  	[dreg:$0x4] =	wrdreg $0x9  }
0xae: {  	_ =	task.clear_ibuf [dreg:s5], $0x5FFFF;
	_ =	strace $0x90000049  }
0xaf: {  	s26 =	simm.s32 $0x9;
	_ =	strace $0x8000004B  }
0xb0: {  	_ =	swait.ge [sflag:s26], $0x1  }
0xb1: {  	[sflag:s26] =	ssyncadd.s32 $0xFFFFFFFF  }
0xb2: {  	_ =	strace $0x9000004B  }
0xb3: {  	_ =	sfence  }
0xb4: {  	s28 =	sld [smem:$0x0];
	_ =	sdelay $0x1  }
0xb5: {  	s29 =	srdreg.scid  }
0xb6: {  	s30 =	sshll.u32 s29, $0xD;
	s31 =	sshrl.u32 s29, $0x2  }
0xb7: {  	s2 =	sand.u32 $0x4000, s30;
	s1 =	sand.u32 $0x1, s29;
	s0 =	sadd.s32 s31, s28  }
0xb8: {  	s1 =	sor.u32 s2, s1;
	s0 =	sshll.u32 s0, $0x11  }
0xb9: {  	s0 =	sor.u32 s0, s1  }
0xba: {  	s0 =	sadd.s32 $0x8F2B, s0  }
0xbb: {  	[sflag:s0] =	ssyncadd.remote.s32 $0x1  }
0xbc: {  	_ =	sfence.sel $0xFFFF  }
0xbd: {  	[dreg:$0x0] =	wrdreg $0xFFFFFFFF;
	(pc) =	sbr.abs _section_cstart, $3  }
0xbe: {  	[dreg:$0x1] =	wrdreg $0xFFFFFFFF  }
0xbf: {  	_ =	task.clear_ibuf [dreg:s5], $0x2FFFF;
	_ =	strace $0x9FFFFFFF  }
0xc0: {  	(tm) =	ssettm $0x7FFFFFFF  }
0xc1: {  	_ =	shalt  }
tec
execute0_lowered:
.L_overlay_start_1:
0x0: {  	(tag) =	ssettag $0x1  }
0x1: {  	s5 =	rddreg [dreg:$0x0]  }
0x2: {  	s1 =	rddreg [dreg:$0x1];
	s2 =	simm.s32 $0x0  }
0x3: {  	s3 =	stileid.u32;
	[smem:$0x7FF] =	sst s2  }
0x4: {  	s0 =	rddreg [dreg:$0x2];
	p0 =	sne.s32 s3, $0x0;
	_ =	strace $0x8000004A  }
0x5: {  	_ =	sfence.sel @p0 $0x180000  }
0x6: {  	[bflag:$0x0] =	sbarrier.arrive @p0 $0xFFFF  }
0x7: {  	_ =	strace @p0 $0x9000004A  }
0x8: {  	[bflag:$0x2] =	sbarrier.arrive @p0 $0xFFFF  }
0x9: {  	_ =	shalt @p0  }
.LBB2_1:
0xa: {  	s3 =	sadd.s32 $0x7CE00, s5;
	s4 =	simm.s32 $0x2000  }
0xb: {  	[tilespmem:s4], [sflag:$0x1] =	stream.linear.gather [hbm4b:s3+s2], $0x180, $0x38;
	[tilespmem:$0x2280] =	vst v63  }
0xc: {  	s3 =	simm.s32 $0x1  }
0xd: {  	_ =	swait.ge [sflag:s3], $0x180  }
0xe: {  	[sflag:s3] =	ssyncset.done $0x0  }
0xf: {  	[sflag:s3] =	ssyncadd.s32 $0xFFFFFE80  }
0x10: {  	s4 =	sadd.s32 $0x5CE00, s5;
	v1 =	vld [tilespmem:$0x2000]  }
0x11: {  	s6 =	sadd.s32 $0xFE00, s4;
	v0 =	vld [tilespmem:$0x2080]  }
0x12: {  	v2 =	vld [tilespmem:$0x2100];
	[tilespmem:s2], [sflag:$0x1] =	stream.linear.gather [hbm4b:s6+s2], $0x1000, $0x38  }
0x13: {  	_ =	swait.ge [sflag:s3], $0x1000  }
0x14: {  	s5 =	sadd.s32 $0x6CE00, s5;
	[sflag:s3] =	ssyncset.done $0x0  }
0x15: {  	s7 =	sadd.s32 $0xFE00, s5;
	s6 =	simm.s32 $0x1000;
	[sflag:s3] =	ssyncadd.s32 $0xFFFFF000  }
0x16: {  	[tilespmem:s6], [sflag:$0x1] =	stream.linear.gather [hbm4b:s7+s2], $0x1000, $0x38;
	[tilespmem:$0x2280] =	vst v63  }
0x17: {  	_ =	swait.ge [sflag:s3], $0x1000  }
0x18: {  	[sflag:s3] =	ssyncset.done $0x0  }
0x19: {  	[sflag:s3] =	ssyncadd.s32 $0xFFFFF000  }
0x1a: {  	v3 =	vld [tilespmem:$0x380]  }
0x1b: {  	v4 =	vld [tilespmem:$0x300]  }
0x1c: {  	v5 =	vld [tilespmem:$0x280]  }
0x1d: {  	v6 =	vld [tilespmem:$0x200]  }
0x1e: {  	v7 =	vld [tilespmem:$0x180]  }
0x1f: {  	v8 =	vld [tilespmem:$0x100]  }
0x20: {  	v10 =	vld [tilespmem:$0x0]  }
0x21: {  	v9 =	vld [tilespmem:$0x80]  }
0x22: {  	v11 =	vld [tilespmem:$0x1300]  }
0x23: {  	v12 =	vld [tilespmem:$0x1000]  }
0x24: {  	v13 =	vld [tilespmem:$0x1080]  }
0x25: {  	v14 =	vld [tilespmem:$0x1100];
	v10 =	vadd.f32 $0.0e+00, v10  }
0x26: {  	v15 =	vld [tilespmem:$0x1180]  }
0x27: {  	v16 =	vld [tilespmem:$0x1200];
	v9 =	vadd.f32 v9, v10  }
0x28: {  	v17 =	vld [tilespmem:$0x480]  }
0x29: {  	v18 =	vld [tilespmem:$0x1280];
	v8 =	vadd.f32 v8, v9  }
0x2a: {  	v19 =	vld [tilespmem:$0x500]  }
0x2b: {  	v20 =	vld [tilespmem:$0x580];
	v7 =	vadd.f32 v7, v8  }
0x2c: {  	v21 =	vld [tilespmem:$0x600]  }
0x2d: {  	v22 =	vld [tilespmem:$0x680];
	v6 =	vadd.f32 v6, v7  }
0x2e: {  	v23 =	vld [tilespmem:$0x1480]  }
0x2f: {  	v24 =	vld [tilespmem:$0x1580];
	v5 =	vadd.f32 v5, v6  }
0x30: {  	v8 =	vld [tilespmem:$0x400]  }
0x31: {  	v25 =	vld [tilespmem:$0x1680];
	v4 =	vadd.f32 v4, v5  }
0x32: {  	v26 =	vld [tilespmem:$0x780]  }
0x33: {  	v27 =	vld [tilespmem:$0x800];
	v3 =	vadd.f32 v3, v4  }
0x34: {  	v28 =	vld [tilespmem:$0x880]  }
0x35: {  	v46 =	vld [tilespmem:$0x1980];
	v3 =	vadd.f32 v8, v3  }
0x36: {  	v47 =	vld [tilespmem:$0x1A00];
	v12 =	vadd.f32 $0.0e+00, v12  }
0x37: {  	v48 =	vld [tilespmem:$0x1B00];
	v3 =	vadd.f32 v17, v3  }
0x38: {  	v49 =	vld [tilespmem:$0x1B80];
	v12 =	vadd.f32 v13, v12  }
0x39: {  	v50 =	vld [tilespmem:$0x1C00];
	v3 =	vadd.f32 v19, v3  }
0x3a: {  	v51 =	vld [tilespmem:$0xD00];
	v12 =	vadd.f32 v14, v12  }
0x3b: {  	v52 =	vld [tilespmem:$0xE00];
	v3 =	vadd.f32 v20, v3  }
0x3c: {  	v12 =	vadd.f32 v15, v12;
	v5 =	vld [tilespmem:$0x700]  }
0x3d: {  	v53 =	vld [tilespmem:$0x1E80];
	v3 =	vadd.f32 v21, v3  }
0x3e: {  	v29 =	vld [tilespmem:$0x1F00];
	v12 =	vadd.f32 v16, v12  }
0x3f: {  	v10 =	vld [tilespmem:$0x1380];
	v3 =	vadd.f32 v22, v3  }
0x40: {  	v13 =	vld [tilespmem:$0x900];
	v12 =	vadd.f32 v18, v12  }
0x41: {  	v9 =	vld [tilespmem:$0x1400];
	v3 =	vadd.f32 v5, v3  }
0x42: {  	v14 =	vld [tilespmem:$0x980];
	v11 =	vadd.f32 v11, v12  }
0x43: {  	v15 =	vld [tilespmem:$0xA00];
	v3 =	vadd.f32 v26, v3  }
0x44: {  	v7 =	vld [tilespmem:$0x1500];
	v10 =	vadd.f32 v10, v11  }
0x45: {  	v16 =	vld [tilespmem:$0xA80];
	v3 =	vadd.f32 v27, v3  }
0x46: {  	v6 =	vld [tilespmem:$0x1600];
	v9 =	vadd.f32 v9, v10  }
0x47: {  	v18 =	vld [tilespmem:$0xB00];
	v3 =	vadd.f32 v28, v3  }
0x48: {  	v12 =	vld [tilespmem:$0xB80];
	v9 =	vadd.f32 v23, v9  }
0x49: {  	v4 =	vld [tilespmem:$0x1700];
	v3 =	vadd.f32 v13, v3  }
0x4a: {  	v11 =	vld [tilespmem:$0xC00];
	v7 =	vadd.f32 v7, v9  }
0x4b: {  	v8 =	vld [tilespmem:$0x1780];
	v3 =	vadd.f32 v14, v3  }
0x4c: {  	v10 =	vld [tilespmem:$0xC80];
	v7 =	vadd.f32 v24, v7  }
0x4d: {  	v17 =	vld [tilespmem:$0x1800];
	v3 =	vadd.f32 v15, v3  }
0x4e: {  	v19 =	vld [tilespmem:$0x1880];
	v6 =	vadd.f32 v6, v7  }
0x4f: {  	v9 =	vld [tilespmem:$0xD80];
	v3 =	vadd.f32 v16, v3  }
0x50: {  	v20 =	vld [tilespmem:$0x1900];
	v6 =	vadd.f32 v25, v6  }
0x51: {  	v7 =	vld [tilespmem:$0x1E00];
	v3 =	vadd.f32 v18, v3  }
0x52: {  	v5 =	vld [tilespmem:$0x1A80];
	v4 =	vadd.f32 v4, v6  }
0x53: {  	v6 =	vld [tilespmem:$0xF80];
	v3 =	vadd.f32 v12, v3  }
0x54: {  	v4 =	vadd.f32 v8, v4;
	v13 =	vld [tilespmem:$0x1C80]  }
0x55: {  	v14 =	vld [tilespmem:$0x1D00];
	v3 =	vadd.f32 v11, v3  }
0x56: {  	v4 =	vadd.f32 v17, v4;
	v15 =	vld [tilespmem:$0x1D80]  }
0x57: {  	v16 =	vld [tilespmem:$0xE80];
	v3 =	vadd.f32 v10, v3  }
0x58: {  	s30 =	sadd.s32 $0xFC00, s4;
	v4 =	vadd.f32 v19, v4;
	v18 =	vld [tilespmem:$0xF00]  }
0x59: {  	v12 =	vld [tilespmem:$0x1F80];
	[tilespmem:s2], [sflag:$0x1] =	stream.linear.gather [hbm4b:s30+s2], $0x1000, $0x38;
	v3 =	vadd.f32 v51, v3  }
0x5a: {  	v4 =	vadd.f32 v20, v4;
	_ =	swait.ge [sflag:s3], $0x1000  }
0x5b: {  	[sflag:s3] =	ssyncset.done $0x0;
	v3 =	vadd.f32 v9, v3  }
0x5c: {  	s31 =	sadd.s32 $0xFC00, s5;
	v4 =	vadd.f32 v46, v4;
	[sflag:s3] =	ssyncadd.s32 $0xFFFFF000  }
0x5d: {  	[tilespmem:s6], [sflag:$0x1] =	stream.linear.gather [hbm4b:s31+s2], $0x1000, $0x38;
	v3 =	vadd.f32 v52, v3;
	[tilespmem:$0x2280] =	vst v63  }
0x5e: {  	v4 =	vadd.f32 v47, v4;
	_ =	swait.ge [sflag:s3], $0x1000  }
0x5f: {  	[sflag:s3] =	ssyncset.done $0x0;
	v3 =	vadd.f32 v16, v3  }
0x60: {  	v4 =	vadd.f32 v5, v4;
	[sflag:s3] =	ssyncadd.s32 $0xFFFFF000  }
0x61: {  	v8 =	vlaneseq.u32;
	v9 =	vld [tilespmem:$0x380];
	v3 =	vadd.f32 v18, v3  }
0x62: {  	v8 =	vmul.u32 $0xFFFFFFFF, v8;
	v4 =	vadd.f32 v48, v4;
	v10 =	vld [tilespmem:$0x300]  }
0x63: {  	v11 =	vld [tilespmem:$0x280];
	v6 =	vadd.f32 v6, v3  }
0x64: {  	v4 =	vadd.f32 v49, v4;
	v3 =	vadd.s32 $0xF, v8;
	v8 =	vld [tilespmem:$0x0]  }
0x65: {  	v18 =	vld [tilespmem:$0x80];
	v19 =	vperm.xlane v6, v3  }
0x66: {  	v4 =	vadd.f32 v50, v4;
	v6 =	vld [tilespmem:$0x1000]  }
0x67: {  	v17 =	vld [tilespmem:$0x100];
	(xrf2) =	vadd.scan.msk.f32 $0xffff, v19  }
0x68: {  	v4 =	vadd.f32 v13, v4;
	v54 =	vld [tilespmem:$0x1080]  }
0x69: {  	v13 =	vld [tilespmem:$0x1100];
	v8 =	vadd.f32 $0.0e+00, v8  }
0x6a: {  	v4 =	vadd.f32 v14, v4;
	v16 =	vld [tilespmem:$0x180]  }
0x6b: {  	v5 =	vld [tilespmem:$0x200];
	v6 =	vadd.f32 $0.0e+00, v6;
	v8 =	vadd.f32 v18, v8  }
0x6c: {  	v55 =	vld [tilespmem:$0x1180];
	v4 =	vadd.f32 v15, v4  }
0x6d: {  	v20 =	vld [tilespmem:$0x1300];
	v21 =	vadd.f32 v54, v6;
	v6 =	vmax.f32 v19, $1.000000000e+00;
	v8 =	vadd.f32 v17, v8  }
0x6e: {  	v14 =	vld [tilespmem:$0x1200];
	v4 =	vadd.f32 v7, v4;
	(erf) = vrcp.f32 v6  }
0x6f: {  	v15 =	vld [tilespmem:$0x1280];
	v13 =	vadd.f32 v13, v21;
	v8 =	vadd.f32 v16, v8  }
0x70: {  	v56 =	vld [tilespmem:$0x500];
	v4 =	vadd.f32 v53, v4  }
0x71: {  	v57 =	vld [tilespmem:$0x1400];
	v13 =	vadd.f32 v55, v13;
	v5 =	vadd.f32 v5, v8;
	v17, _, _ =	vpop (xrf2)  }
0x72: {  	v61 =	vld [tilespmem:$0x1480];
	v58 =	vadd.f32 v29, v4;
	v59 =	vsub.f32 v17, v19  }
0x73: {  	v7 =	vld [tilespmem:$0x600];
	v4 =	vimm.f32 $0.0e+00;
	v13 =	vadd.f32 v14, v13;
	v5 =	vadd.f32 v11, v5  }
0x74: {  	v14 =	vld [tilespmem:$0x400];
	v11 =	vadd.f32 v12, v58;
	v60 =	vadd.f32 v59, v4  }
0x75: {  	v18 =	vld [tilespmem:$0x480];
	v5 =	vadd.f32 v10, v5  }
0x76: {  	v6 =	vld [tilespmem:$0x580];
	v13 =	vadd.f32 v15, v13;
	v15 =	vperm.xlane v11, v3;
	v22 =	vsub.f32 v1, v60  }
0x77: {  	v16 =	vld [tilespmem:$0x1380];
	v62 =	vpop (erf);
	v5 =	vadd.f32 v9, v5  }
0x78: {  	v8 =	vld [tilespmem:$0x680];
	v13 =	vadd.f32 v20, v13;
	v20 =	vmul.f32 v62, v15;
	v15 =	vmax.f32 v22, $0.0e+00  }
0x79: {  	v12 =	vld [tilespmem:$0x1500];
	v5 =	vadd.f32 v14, v5;
	v14 =	vbroadcast v17, $0xF;
	v17 =	vmin.f32 v19, v15  }
0x7a: {  	v11 =	vld [tilespmem:$0x1580];
	v19 =	vmul.f32 v17, v20  }
0x7b: {  	v10 =	vld [tilespmem:$0x1600]  }
0x7c: {  	v9 =	vld [tilespmem:$0x1680];
	(xrf2) =	vadd.scan.msk.f32 $0xffff, v19  }
0x7d: {  	v13 =	vadd.f32 v16, v13;
	v16 =	vld [tilespmem:$0x700]  }
0x7e: {  	v15 =	vld [tilespmem:$0x780]  }
0x7f: {  	v20 =	vadd.f32 v57, v13;
	v63 =	vadd.f32 v18, v5;
	v13 =	vld [tilespmem:$0x1700]  }
0x80: {  	v5 =	vadd.f32 v14, v4;
	v17 =	vld [tilespmem:$0x800]  }
0x81: {  	s7 =	simm.s32 $0x7D000;
	v14 =	vld [tilespmem:$0x1780];
	v18 =	vadd.f32 v61, v20;
	v19 =	vadd.f32 v56, v63  }
.LBB2_2:
0x82: {  	p0 =	sne.s32 s7, $0x0;
	v20 =	vld [tilespmem:$0x880];
	s8 =	smov.u32 s7;
	s7 =	sadd.s32 $0xFFFFF000, s7  }
0x83: {  	v12 =	vadd.f32 v12, v18;
	v6 =	vadd.f32 v6, v19;
	v18 =	vld [tilespmem:$0x1800]  }
0x84: {  	v19 =	vld [tilespmem:$0x900]  }
0x85: {  	v11 =	vadd.f32 v11, v12;
	v6 =	vadd.f32 v7, v6;
	v7 =	vld [tilespmem:$0x1880]  }
0x86: {  	v12 =	vld [tilespmem:$0x980];
	v21, _, _ =	vpop (xrf2)  }
0x87: {  	v10 =	vadd.f32 v10, v11;
	v6 =	vadd.f32 v8, v6;
	v8 =	vld [tilespmem:$0x1900];
	v11 =	vbroadcast v21, $0xF  }
0x88: {  	v21 =	vld [tilespmem:$0xA00]  }
0x89: {  	v9 =	vadd.f32 v9, v10;
	v6 =	vadd.f32 v16, v6;
	v10 =	vld [tilespmem:$0x1980]  }
0x8a: {  	v4 =	vadd.f32 v11, v4;
	v16 =	vld [tilespmem:$0xA80]  }
0x8b: {  	v9 =	vadd.f32 v13, v9;
	v6 =	vadd.f32 v15, v6;
	v11 =	vld [tilespmem:$0x1A00]  }
0x8c: {  	v13 =	vld [tilespmem:$0xB00]  }
0x8d: {  	v9 =	vadd.f32 v14, v9;
	v6 =	vadd.f32 v17, v6;
	v14 =	vld [tilespmem:$0x1A80]  }
0x8e: {  	v15 =	vld [tilespmem:$0xB80]  }
0x8f: {  	v9 =	vadd.f32 v18, v9;
	v6 =	vadd.f32 v20, v6;
	v17 =	vld [tilespmem:$0x1B00]  }
0x90: {  	v18 =	vld [tilespmem:$0xC00]  }
0x91: {  	v7 =	vadd.f32 v7, v9;
	v6 =	vadd.f32 v19, v6;
	v9 =	vld [tilespmem:$0x1B80]  }
0x92: {  	v19 =	vld [tilespmem:$0xC80]  }
0x93: {  	v7 =	vadd.f32 v8, v7;
	v6 =	vadd.f32 v12, v6;
	v8 =	vld [tilespmem:$0x1C00]  }
0x94: {  	v12 =	vld [tilespmem:$0xD00]  }
0x95: {  	v7 =	vadd.f32 v10, v7;
	v6 =	vadd.f32 v21, v6;
	v10 =	vld [tilespmem:$0x1C80]  }
0x96: {  	v20 =	vld [tilespmem:$0xD80]  }
0x97: {  	v7 =	vadd.f32 v11, v7;
	v6 =	vadd.f32 v16, v6;
	v11 =	vld [tilespmem:$0x1D00]  }
0x98: {  	v16 =	vld [tilespmem:$0xE00]  }
0x99: {  	v7 =	vadd.f32 v14, v7;
	v6 =	vadd.f32 v13, v6;
	v13 =	vld [tilespmem:$0x1D80]  }
0x9a: {  	v14 =	vld [tilespmem:$0x1E00]  }
0x9b: {  	v7 =	vadd.f32 v17, v7;
	v6 =	vadd.f32 v15, v6;
	v15 =	vld [tilespmem:$0xE80]  }
0x9c: {  	v17 =	vld [tilespmem:$0x1E80]  }
0x9d: {  	v7 =	vadd.f32 v9, v7;
	v6 =	vadd.f32 v18, v6;
	v9 =	vld [tilespmem:$0xF00]  }
0x9e: {  	v18 =	vld [tilespmem:$0x1F00]  }
0x9f: {  	s8 =	sshrl.u32 s8, $0x3;
	v7 =	vadd.f32 v8, v7;
	v6 =	vadd.f32 v19, v6;
	v8 =	vld [tilespmem:$0xF80]  }
0xa0: {  	s9 =	sadd.s32 s4, s8;
	v19 =	vld [tilespmem:$0x1F80]  }
0xa1: {  	[tilespmem:s2], [sflag:$0x1] =	stream.linear.gather [hbm4b:s9+s2], $0x1000, $0x38;
	v7 =	vadd.f32 v10, v7;
	v6 =	vadd.f32 v12, v6;
	[tilespmem:$0x2280] =	vst v63  }
0xa2: {  	_ =	swait.ge [sflag:s3], $0x1000  }
0xa3: {  	[sflag:s3] =	ssyncset.done $0x0;
	v7 =	vadd.f32 v11, v7;
	v6 =	vadd.f32 v20, v6  }
0xa4: {  	s8 =	sadd.s32 s5, s8;
	[sflag:s3] =	ssyncadd.s32 $0xFFFFF000  }
0xa5: {  	[tilespmem:s6], [sflag:$0x1] =	stream.linear.gather [hbm4b:s8+s2], $0x1000, $0x38;
	v7 =	vadd.f32 v13, v7;
	v6 =	vadd.f32 v16, v6;
	[tilespmem:$0x2280] =	vst v63  }
0xa6: {  	_ =	swait.ge [sflag:s3], $0x1000  }
0xa7: {  	[sflag:s3] =	ssyncset.done $0x0;
	v7 =	vadd.f32 v14, v7;
	v6 =	vadd.f32 v15, v6  }
0xa8: {  	[sflag:s3] =	ssyncadd.s32 $0xFFFFF000  }
0xa9: {  	v10 =	vld [tilespmem:$0x380];
	v7 =	vadd.f32 v17, v7;
	v6 =	vadd.f32 v9, v6  }
0xaa: {  	v9 =	vld [tilespmem:$0x300]  }
0xab: {  	v11 =	vld [tilespmem:$0x280];
	v7 =	vadd.f32 v18, v7;
	v6 =	vadd.f32 v8, v6  }
0xac: {  	v8 =	vld [tilespmem:$0x200]  }
0xad: {  	v12 =	vld [tilespmem:$0x180];
	v13 =	vadd.f32 v19, v7;
	v14 =	vperm.xlane v6, v3  }
0xae: {  	v6 =	vld [tilespmem:$0x100]  }
0xaf: {  	v7 =	vld [tilespmem:$0x80];
	v15 =	vmax.f32 v14, $1.000000000e+00;
	(xrf2) =	vadd.scan.msk.f32 $0xffff, v14  }
0xb0: {  	v16 =	vld [tilespmem:$0x0]  }
0xb1: {  	v17 =	vld [tilespmem:$0x1300];
	(erf) = vrcp.f32 v15  }
0xb2: {  	v15 =	vld [tilespmem:$0x1000]  }
0xb3: {  	v18 =	vld [tilespmem:$0x1080]  }
0xb4: {  	v19 =	vld [tilespmem:$0x1100]  }
0xb5: {  	v16 =	vadd.f32 $0.0e+00, v16;
	v20 =	vld [tilespmem:$0x1180]  }
0xb6: {  	v21 =	vld [tilespmem:$0x1200]  }
0xb7: {  	v15 =	vadd.f32 $0.0e+00, v15;
	v7 =	vadd.f32 v7, v16;
	v22 =	vld [tilespmem:$0x480]  }
0xb8: {  	v16 =	vld [tilespmem:$0x1280]  }
0xb9: {  	v15 =	vadd.f32 v18, v15;
	v7 =	vadd.f32 v6, v7;
	v23 =	vld [tilespmem:$0x500];
	v18, _, _ =	vpop (xrf2)  }
0xba: {  	v6 =	vld [tilespmem:$0x580];
	v24 =	vsub.f32 v18, v14;
	v18 =	vbroadcast v18, $0xF;
	v25 =	vpop (erf)  }
0xbb: {  	v15 =	vadd.f32 v19, v15;
	v12 =	vadd.f32 v12, v7;
	v19 =	vld [tilespmem:$0x1380]  }
0xbc: {  	v7 =	vld [tilespmem:$0x600];
	v24 =	vadd.f32 v24, v5;
	v5 =	vadd.f32 v18, v5  }
0xbd: {  	v13 =	vperm.xlane v13, v3;
	v15 =	vadd.f32 v20, v15;
	v12 =	vadd.f32 v8, v12;
	v18 =	vld [tilespmem:$0x1400]  }
0xbe: {  	v8 =	vld [tilespmem:$0x680];
	v20 =	vsub.f32 v1, v24  }
0xbf: {  	v13 =	vmul.f32 v25, v13;
	v15 =	vadd.f32 v21, v15;
	v11 =	vadd.f32 v11, v12;
	v21 =	vld [tilespmem:$0x400]  }
0xc0: {  	v24 =	vld [tilespmem:$0x1480];
	v20 =	vmax.f32 v20, $0.0e+00  }
0xc1: {  	v15 =	vadd.f32 v16, v15;
	v9 =	vadd.f32 v9, v11;
	v12 =	vld [tilespmem:$0x1500];
	v14 =	vmin.f32 v14, v20  }
0xc2: {  	v11 =	vld [tilespmem:$0x1580];
	v13 =	vmul.f32 v14, v13  }
0xc3: {  	v14 =	vadd.f32 v17, v15;
	v15 =	vadd.f32 v10, v9;
	v10 =	vld [tilespmem:$0x1600]  }
0xc4: {  	v9 =	vld [tilespmem:$0x1680];
	(xrf2) =	vadd.scan.msk.f32 $0xffff, v13  }
.Ltmp0:
0xc5: {  	v13 =	vadd.f32 v19, v14;
	v14 =	vadd.f32 v21, v15;
	v16 =	vld [tilespmem:$0x700];
	(pc) =	sbr.rel @p0 .LBB2_2-.Ltmp0, $4  }
0xc6: {  	v15 =	vld [tilespmem:$0x780]  }
0xc7: {  	v18 =	vadd.f32 v18, v13;
	v14 =	vadd.f32 v22, v14;
	v13 =	vld [tilespmem:$0x1700]  }
0xc8: {  	v17 =	vld [tilespmem:$0x800]  }
0xc9: {  	v18 =	vadd.f32 v24, v18;
	v19 =	vadd.f32 v23, v14;
	v14 =	vld [tilespmem:$0x1780]  }
0xca: {  	_ = 	snop  }
0xcb: {  	v6 =	vadd.f32 v6, v19;
	_ =	sdelay $0x1  }
0xcc: {  	v6 =	vadd.f32 v7, v6;
	_ =	sdelay $0x1  }
0xcd: {  	v6 =	vadd.f32 v8, v6;
	_ =	sdelay $0x1  }
0xce: {  	v6 =	vadd.f32 v16, v6  }
0xcf: {  	v21 =	vld [tilespmem:$0x880]  }
0xd0: {  	v6 =	vadd.f32 v15, v6  }
0xd1: {  	v22 =	vld [tilespmem:$0x900]  }
0xd2: {  	v6 =	vadd.f32 v17, v6  }
0xd3: {  	v23 =	vld [tilespmem:$0x980]  }
0xd4: {  	v6 =	vadd.f32 v21, v6  }
0xd5: {  	v24 =	vld [tilespmem:$0xA00]  }
0xd6: {  	v6 =	vadd.f32 v22, v6  }
0xd7: {  	v26 =	vld [tilespmem:$0xA80];
	v25 =	vadd.f32 v12, v18  }
0xd8: {  	v6 =	vadd.f32 v23, v6  }
0xd9: {  	v27 =	vld [tilespmem:$0xB00];
	v8 =	vadd.f32 v11, v25  }
0xda: {  	v6 =	vadd.f32 v24, v6  }
0xdb: {  	v29 =	vld [tilespmem:$0xB80];
	v28 =	vadd.f32 v10, v8  }
0xdc: {  	v6 =	vadd.f32 v26, v6  }
0xdd: {  	v30 =	vld [tilespmem:$0xC00];
	v7 =	vadd.f32 v9, v28  }
0xde: {  	v31 =	vld [tilespmem:$0x1800];
	v6 =	vadd.f32 v27, v6  }
0xdf: {  	v32 =	vld [tilespmem:$0xC80];
	v7 =	vadd.f32 v13, v7  }
0xe0: {  	v33 =	vld [tilespmem:$0x1880];
	v6 =	vadd.f32 v29, v6  }
0xe1: {  	v34 =	vld [tilespmem:$0xD00];
	v7 =	vadd.f32 v14, v7  }
0xe2: {  	v35 =	vld [tilespmem:$0x1900];
	v6 =	vadd.f32 v30, v6  }
0xe3: {  	v36 =	vld [tilespmem:$0xD80];
	v7 =	vadd.f32 v31, v7  }
0xe4: {  	v37 =	vld [tilespmem:$0x1980];
	v6 =	vadd.f32 v32, v6  }
0xe5: {  	v38 =	vld [tilespmem:$0xE00];
	v7 =	vadd.f32 v33, v7  }
0xe6: {  	v39 =	vld [tilespmem:$0x1A00];
	v6 =	vadd.f32 v34, v6  }
0xe7: {  	v40 =	vld [tilespmem:$0xE80];
	v7 =	vadd.f32 v35, v7  }
0xe8: {  	v41 =	vld [tilespmem:$0x1A80];
	v6 =	vadd.f32 v36, v6  }
0xe9: {  	v42 =	vld [tilespmem:$0xF00];
	v7 =	vadd.f32 v37, v7  }
0xea: {  	v43 =	vld [tilespmem:$0x1B00];
	v6 =	vadd.f32 v38, v6  }
0xeb: {  	v44 =	vld [tilespmem:$0xF80];
	v7 =	vadd.f32 v39, v7  }
0xec: {  	v45 =	vld [tilespmem:$0x1B80];
	v6 =	vadd.f32 v40, v6  }
0xed: {  	v7 =	vadd.f32 v41, v7  }
0xee: {  	v46 =	vld [tilespmem:$0x1C00];
	v6 =	vadd.f32 v42, v6  }
0xef: {  	v7 =	vadd.f32 v43, v7  }
0xf0: {  	v47 =	vld [tilespmem:$0x1C80];
	v6 =	vadd.f32 v44, v6  }
0xf1: {  	v7 =	vadd.f32 v45, v7  }
0xf2: {  	v48 =	vld [tilespmem:$0x1D00];
	v6 =	vperm.xlane v6, v3  }
0xf3: {  	v7 =	vadd.f32 v46, v7  }
0xf4: {  	v49 =	vld [tilespmem:$0x1D80];
	(xrf2) =	vadd.scan.msk.f32 $0xffff, v6  }
0xf5: {  	v7 =	vadd.f32 v47, v7  }
0xf6: {  	v50 =	vld [tilespmem:$0x1E00]  }
0xf7: {  	v7 =	vadd.f32 v48, v7  }
0xf8: {  	v51 =	vld [tilespmem:$0x1E80]  }
0xf9: {  	v7 =	vadd.f32 v49, v7  }
0xfa: {  	v52 =	vld [tilespmem:$0x1F00];
	v53 =	vmax.f32 v6, $1.000000000e+00  }
0xfb: {  	v7 =	vadd.f32 v50, v7;
	(erf) = vrcp.f32 v53  }
0xfc: {  	v54 =	vld [tilespmem:$0x1F80]  }
0xfd: {  	v55, _, _ =	vpop (xrf2);
	v7 =	vadd.f32 v51, v7  }
0xfe: {  	v56, _, _ =	vpop (xrf2)  }
0xff: {  	v7 =	vadd.f32 v52, v7;
	v57 =	vsub.f32 v56, v6;
	_ =	sdelay $0x1  }
0x100: {  	v7 =	vadd.f32 v54, v7;
	v5 =	vadd.f32 v57, v5;
	_ =	sdelay $0x1  }
0x101: {  	v58 =	vperm.xlane v7, v3;
	v5 =	vsub.f32 v1, v5  }
0x102: {  	v59 =	vpop (erf)  }
0x103: {  	v3 =	vmul.f32 v59, v58;
	v5 =	vmax.f32 v5, $0.0e+00  }
0x104: {  	v5 =	vmin.f32 v6, v5  }
0x105: {  	v3 =	vmul.f32 v5, v3;
	_ =	sdelay $0x1  }
0x106: {  	(xrf2) =	vadd.scan.msk.f32 $0xffff, v3;
	_ =	sdelay $0x3  }
0x107: {  	(erf) = vrcp.f32 v2  }
0x108: {  	(erf) = vrcp.f32 v1;
	_ =	sdelay $0x3  }
0x109: {  	v60 =	vbroadcast v55, $0xF  }
0x10a: {  	v61, _, _ =	vpop (xrf2)  }
0x10b: {  	v1 =	vadd.f32 v60, v4;
	v2 =	vbroadcast v61, $0xF;
	_ =	sdelay $0x1  }
0x10c: {  	v62 =	vpop (erf);
	v1 =	vadd.f32 v2, v1  }
0x10d: {  	v63 =	vpop (erf)  }
0x10e: {  	v0 =	vmul.f32 v62, v0;
	v1 =	vmul.f32 v1, v63;
	_ =	sdelay $0x1  }
0x10f: {  	v0 =	vadd.f32 v1, v0;
	_ =	sdelay $0x1  }
0x110: {  	s2 =	simm.s32 $0x0;
	s3 =	simm.s32 $0x2200;
	s31 =	simm.s32 $0x1;
	[tilespmem:$0x2200] =	vst v0  }
0x111: {  	[hbm4b:s1+s2] =	stream.linear.scatter [tilespmem:s3], [sflag:$0x1], $0x80, $0x38;
	[tilespmem:$0x2280] =	vst v63  }
0x112: {  	_ =	swait.ge [sflag:s31], $0x80  }
0x113: {  	[sflag:s31] =	ssyncset.done $0x0  }
0x114: {  	[sflag:s31] =	ssyncadd.s32 $0xFFFFFF80  }
0x115: {  	_ =	sfence.sel $0x180000  }
0x116: {  	[bflag:$0x0] =	sbarrier.arrive $0xFFFF  }
0x117: {  	_ =	strace $0x9000004A  }
0x118: {  	s0 =	sadd.s32 $0x100000, s0;
	[bflag:$0x2] =	sbarrier.arrive $0xFFFF  }
0x119: {  	[sflag:s0] =	ssyncadd.tile.s32 $0x1;
	_ =	shalt  }
.Lfunc_end2:
_tile_overlayer_lowered:
.L_overlay_start_2:
0x11a: {  	(tag) =	ssettag $0x2  }
0x11b: {  	s0 =	rddreg [dreg:$0x0];
	s2 =	stileid.u32  }
0x11c: {  	s1 =	rddreg [dreg:$0x1];
	p0 =	sne.s32 s2, $0x0  }
0x11d: {  	s3 =	rddreg [dreg:$0x2];
	[bflag:$0x3] =	sbarrier.arrive $0xFFFF;
	s2 =	simm.s32 @!p0 $0x1C01  }
0x11e: {  	[timem:s3], [sflag:s2] =	dma.local @!p0 [hbm:s0], s1  }
0x11f: {  	s0 =	simm.s32 @!p0 $0x1  }
0x120: {  	_ =	swait.ge @!p0 [sflag:s0], s1  }
0x121: {  	s1 =	ssub.s32 @!p0 $0x0, s1;
	[sflag:s0] =	ssyncset.done @!p0 $0x0  }
0x122: {  	[sflag:s0] =	ssyncadd.s32 @!p0 s1  }
0x123: {  	[bflag:$0x3] =	sbarrier.arrive $0xFFFF  }
0x124: {  	_ =	shalt  }

// kernel: kernel.3.cloned.1.call-start
scs
__scs_entry_jumppad:
0x0: {  	(pc) =	sbr.rel $0x88, $3  }
0x1: {  	(tag) =	ssettag $0x0;
	lr =	simm.s32 $0x1  }
0x2: {  	[smem:$0x3F9F] =	sst lr;
	_ =	strace $0xD0000000  }
0x3: {  	_ = 	snop  }
0x4: {  	_ = 	snop  }
0x5: {  	_ = 	snop  }
0x6: {  	_ = 	snop  }
0x7: {  	_ = 	snop  }
__scs_overlays_trampoline_lowered:
0x8: {  	[smem:$0x3FAE] =	sst s0  }
0x9: {  	[smem:$0x3FAF] =	sst s1  }
0xa: {  	[smem:$0x3FB0] =	sst s2  }
0xb: {  	[smem:$0x3FB1] =	sst s3  }
0xc: {  	[smem:$0x3FB2] =	sst s4  }
0xd: {  	[smem:$0x3FB3] =	sst s5  }
0xe: {  	[smem:$0x3FB4] =	sst s6  }
0xf: {  	[smem:$0x3FB5] =	sst s7  }
0x10: {  	[smem:$0x3FB6] =	sst s8  }
0x11: {  	[smem:$0x3FB7] =	sst s9;
	s0 =	simm.s32 @!p0 $0x0  }
0x12: {  	s1 =	sld [smem:$0x3F9D];
	s0 =	simm.s32 @p0 $0x1  }
0x13: {  	[smem:$0x3FB8] =	sst s0;
	s0 =	simm.s32 @!p1 $0x0  }
0x14: {  	s2 =	sld [smem:$0x3F9C];
	s0 =	simm.s32 @p1 $0x1  }
0x15: {  	[smem:$0x3FB9] =	sst s0;
	s0 =	simm.s32 @!p2 $0x0  }
0x16: {  	s3 =	sld [smem:$0x3FDB];
	s0 =	simm.s32 @p2 $0x1  }
0x17: {  	s4 =	simm.s32 $0x1BF5;
	[smem:$0x3FBB] =	sst s0  }
0x18: {  	s0 =	sld [smem:$0x3F9E];
	_ =	swait.ge [sflag:s4], $0x0  }
0x19: {  	s7 =	sld [smem:$0x3F9F]  }
0x1a: {  	s8 =	sadd.s32 $0xFFFFE003, lr  }
0x1b: {  	s9 =	sadd.s32 $0xFFFFFEF7, lr;
	s5 =	simm.s32 $0xFFFFFFFF;
	p2 =	slt.u32 s8, $0xFFFFF086  }
0x1c: {  	p1 =	slt.u32 s9, $0xF7A;
	s5 =	simm.s32 @!p2 $0x0  }
0x1d: {  	s5 =	simm.s32 @p1 $0x1;
	p0 =	seq.s32 s7, s2  }
0x1e: {  	s7 =	smul.u32 @!p0 $0xF7A, s2;
	p2 =	seq.s32 @!p0 s5, $0x0  }
0x1f: {  	s9 =	smul.u32 $0xF7A, s1;
	s8 =	simm.s32 @!p0 $0x1BF5;
	p2 =	por !p2, p0  }
0x20: {  	[sflag:s8] =	ssyncset.s32 @!p0 $0xFFFFF086;
	s6 =	sadd.s32 @!p0 s3, s7;
	s7 =	simm.s32 @!p0 $0x108  }
0x21: {  	s3 =	sadd.s32 s3, s9;
	s6 =	sadd.s32 @!p0 $0x88, s6;
	s7 =	simm.s32 @p2 $0x1082  }
0x22: {  	[simem:s7], [sflag:s8] =	dma.local @!p0 [hbm:s6], $0xF7A  }
0x23: {  	s9 =	sor.u32 $0xD0000000, s2;
	s6 =	simm.s32 $0x108;
	_ =	swait.ge @!p0 [sflag:s8], $0x0  }
0x24: {  	s3 =	sadd.s32 $0x88, s3;
	s6 =	simm.s32 @!p1 $0x1082;
	[sflag:s4] =	ssyncset.s32 $0xFFFFF086  }
0x25: {  	[simem:s6], [sflag:s4] =	dma.local [hbm:s3], $0xF7A  }
0x26: {  	[smem:$0x3F9F] =	sst s1;
	(tag) =	ssettag s2;
	_ =	strace s9  }
0x27: {  	s1 =	sld [smem:$0x3FAF]  }
0x28: {  	s2 =	sld [smem:$0x3FB0]  }
0x29: {  	s4 =	sld [smem:$0x3FB2]  }
0x2a: {  	p0 =	seq.s32 s5, $0x0;
	s5 =	sld [smem:$0x3FB3]  }
0x2b: {  	s6 =	sld [smem:$0x3FB4]  }
0x2c: {  	s7 =	sld [smem:$0x3FB5]  }
0x2d: {  	s3 =	simm.s32 $0x108;
	s8 =	sld [smem:$0x3FB6]  }
0x2e: {  	s3 =	simm.s32 @!p0 $0x1082;
	s9 =	sld [smem:$0x3FB7]  }
0x2f: {  	lr =	sadd.s32 s0, s3;
	s0 =	sld [smem:$0x3FAE]  }
0x30: {  	s3 =	sld [smem:$0x3FB1]  }
0x31: {  	[smem:$0x3FBA] =	sst s10  }
0x32: {  	s10 =	sld [smem:$0x3FB8];
	_ =	sdelay $0x3  }
0x33: {  	p0 =	seq.s32 s10, $0x1;
	s10 =	sld [smem:$0x3FBA];
	_ =	sdelay $0x3  }
0x34: {  	[smem:$0x3FBA] =	sst s10  }
0x35: {  	s10 =	sld [smem:$0x3FB9];
	_ =	sdelay $0x3  }
0x36: {  	p1 =	seq.s32 s10, $0x1;
	s10 =	sld [smem:$0x3FBA];
	_ =	sdelay $0x3  }
0x37: {  	[smem:$0x3FBA] =	sst s10  }
0x38: {  	s10 =	sld [smem:$0x3FBB]  }
0x39: {  	_ = 	snop;
	(pc) =	sbr.ind lr, $3  }
0x3a: {  	_ = 	snop  }
0x3b: {  	_ = 	snop  }
0x3c: {  	p2 =	seq.s32 s10, $0x1;
	s10 =	sld [smem:$0x3FBA]  }
0x3d: {  	_ =	shalt  }
0x3e: {  	_ =	shalt  }
0x3f: {  	_ =	shalt  }
0x40: {  	_ =	shalt  }
0x41: {  	_ =	shalt  }
0x42: {  	_ =	shalt  }
0x43: {  	_ =	shalt  }
0x44: {  	_ =	shalt  }
0x45: {  	_ =	shalt  }
0x46: {  	_ =	shalt  }
0x47: {  	_ =	shalt  }
0x48: {  	_ =	shalt  }
0x49: {  	_ =	shalt  }
0x4a: {  	_ =	shalt  }
0x4b: {  	_ =	shalt  }
0x4c: {  	_ =	shalt  }
0x4d: {  	_ =	shalt  }
0x4e: {  	_ =	shalt  }
0x4f: {  	_ =	shalt  }
0x50: {  	_ =	shalt  }
0x51: {  	_ =	shalt  }
0x52: {  	_ =	shalt  }
0x53: {  	_ =	shalt  }
0x54: {  	_ =	shalt  }
0x55: {  	_ =	shalt  }
0x56: {  	_ =	shalt  }
0x57: {  	_ =	shalt  }
0x58: {  	_ =	shalt  }
0x59: {  	_ =	shalt  }
0x5a: {  	_ =	shalt  }
0x5b: {  	_ =	shalt  }
0x5c: {  	_ =	shalt  }
0x5d: {  	_ =	shalt  }
0x5e: {  	_ =	shalt  }
0x5f: {  	_ =	shalt  }
0x60: {  	_ =	shalt  }
0x61: {  	_ =	shalt  }
0x62: {  	_ =	shalt  }
0x63: {  	_ =	shalt  }
0x64: {  	_ =	shalt  }
0x65: {  	_ =	shalt  }
0x66: {  	_ =	shalt  }
0x67: {  	_ =	shalt  }
0x68: {  	_ =	shalt  }
0x69: {  	_ =	shalt  }
0x6a: {  	_ =	shalt  }
0x6b: {  	_ =	shalt  }
0x6c: {  	_ =	shalt  }
0x6d: {  	_ =	shalt  }
0x6e: {  	_ =	shalt  }
0x6f: {  	_ =	shalt  }
0x70: {  	_ =	shalt  }
0x71: {  	_ =	shalt  }
0x72: {  	_ =	shalt  }
0x73: {  	_ =	shalt  }
0x74: {  	_ =	shalt  }
0x75: {  	_ =	shalt  }
0x76: {  	_ =	shalt  }
0x77: {  	_ =	shalt  }
0x78: {  	_ =	shalt  }
0x79: {  	_ =	shalt  }
0x7a: {  	_ =	shalt  }
0x7b: {  	_ =	shalt  }
0x7c: {  	_ =	shalt  }
0x7d: {  	_ =	shalt  }
0x7e: {  	_ =	shalt  }
0x7f: {  	_ =	shalt  }
0x80: {  	_ =	shalt  }
0x81: {  	_ =	shalt  }
0x82: {  	_ =	shalt  }
0x83: {  	_ =	shalt  }
0x84: {  	_ =	shalt  }
0x85: {  	_ =	shalt  }
0x86: {  	_ =	shalt  }
0x87: {  	_ =	shalt  }
.Lfunc_end0:
.L_simem_size_0:
called_computation.2_lowered:
.L_overlay_start_0:
0x88: {  	s2 =	sld [smem:$0x3FD9]  }
0x89: {  	s3 =	sld [smem:$0x3FFE];
	_ =	sdelay $0x1  }
0x8a: {  	s1 =	srdreg.scid  }
0x8b: {  	s0 =	sand.u32 $0x1, s1  }
0x8c: {  	s16 =	sshll.u32 s0, $0xA;
	s2 =	sadd.s32 s3, s2  }
0x8d: {  	s2 =	sadd.s32 s2, s16  }
0x8e: {  	[smem:$0x3FC6] =	sst s2  }
0x8f: {  	_ = 	snop  }
0x90: {  	(tm) =	ssettm $0x1  }
0x91: {  	s17 =	sld [smem:$0x3FFB];
	_ =	sdelay $0x3  }
0x92: {  	_ =	strace s17  }
0x93: {  	s2 =	sld [smem:$0x3FFC];
	_ =	sdelay $0x3  }
0x94: {  	_ =	strace s2  }
0x95: {  	s2 =	sld [smem:$0x3FFD];
	_ =	sdelay $0x3  }
0x96: {  	_ =	strace s2  }
0x97: {  	_ =	strace $0x8FFFFFFF  }
0x98: {  	s18 =	sld [smem:$0x3FDB];
	_ =	sdelay $0x1  }
0x99: {  	s19 =	simm.s32 $_scs_section_size  }
0x9a: {  	s4 =	simm.s32 $_size__tile_overlayer_lowered;
	s5 =	simm.s32 $_tile_overlayer_lowered  }
0x9b: {  	s22 =	simm.s32 $0x1BFF;
	s21 =	sshll.u32 s5, $0x1;
	s2 =	sadd.s32 s19, s18  }
0x9c: {  	s6 =	simm.s32 $0x0;
	s20 =	sshll.u32 s4, $0x1;
	s4 =	sadd.s32 s21, s2  }
0x9d: {  	[timem:s6], [sflag:s22] =	dma.local [hbm:s4], s20  }
0x9e: {  	_ =	swait.ge [sflag:s22], s20  }
0x9f: {  	s3 =	ssub.s32 $0x0, s20;
	[sflag:s22] =	ssyncset.done $0x0  }
0xa0: {  	[sflag:s22] =	ssyncadd.s32 s3;
	_ =	sdelay $0x1  }
0xa1: {  	s23 =	simm.s32 $0x1B8B  }
0xa2: {  	_ =	swait.ge [sflag:s23], $0x1  }
0xa3: {  	[sflag:s23] =	ssyncset.done $0x0  }
0xa4: {  	s25 =	simm.s32 $0x1B8E;
	s24 =	sld [smem:$0x3FFE];
	[sflag:s23] =	ssyncadd.s32 $0xFFFFFFFF  }
0xa5: {  	s26 =	simm.s32 $execute0_lowered;
	[smem:$0x3FD2] =	sst s25  }
0xa6: {  	s4 =	sshll.u32 s26, $0x1;
	_ =	strace $0x8000004C;
	[dreg:$0x1] =	wrdreg $0xFFFFFFFF  }
0xa7: {  	s28 =	simm.s32 $_size_execute0_lowered;
	s2 =	sadd.s32 s2, s4;
	[dreg:$0x0] =	wrdreg $0x0  }
0xa8: {  	s4 =	sshll.u32 s28, $0x1;
	[dreg:$0x2] =	wrdreg s2  }
0xa9: {  	[dreg:$0x3] =	wrdreg s4  }
0xaa: {  	[dreg:$0x4] =	wrdreg $0xC0  }
0xab: {  	_ =	task [dreg:s6], $0x5FFFF  }
0xac: {  	[dreg:$0x1] =	wrdreg $0xFFFFFFFF  }
0xad: {  	[dreg:$0x0] =	wrdreg $0x60  }
0xae: {  	[dreg:$0x2] =	wrdreg s24  }
0xaf: {  	[dreg:$0x3] =	wrdreg $0x9  }
0xb0: {  	_ =	task.clear_ibuf [dreg:s6], $0x4FFFF;
	_ =	strace $0x9000004C  }
0xb1: {  	s29 =	simm.s32 $0x9;
	_ =	strace $0x8000004E  }
0xb2: {  	_ =	swait.ge [sflag:s29], $0x1  }
0xb3: {  	[sflag:s29] =	ssyncadd.s32 $0xFFFFFFFF  }
0xb4: {  	_ =	strace $0x9000004E  }
0xb5: {  	_ =	sfence  }
0xb6: {  	s30 =	sld [smem:$0x0];
	_ =	sdelay $0x2  }
0xb7: {  	s31 =	sshll.u32 s1, $0xD;
	s1 =	sshrl.u32 s1, $0x2  }
0xb8: {  	s3 =	sand.u32 $0x4000, s31;
	s1 =	sadd.s32 s1, s30  }
0xb9: {  	s0 =	sor.u32 s3, s0;
	s1 =	sshll.u32 s1, $0x11  }
0xba: {  	s0 =	sor.u32 s1, s0  }
0xbb: {  	s0 =	sadd.s32 $0x8F2B, s0  }
0xbc: {  	[sflag:s0] =	ssyncadd.remote.s32 $0x1  }
0xbd: {  	_ =	sfence.sel $0xFFFF  }
0xbe: {  	[dreg:$0x0] =	wrdreg $0xFFFFFFFF;
	(pc) =	sbr.abs _section_cstart, $3  }
0xbf: {  	[dreg:$0x1] =	wrdreg $0xFFFFFFFF  }
0xc0: {  	_ =	task.clear_ibuf [dreg:s6], $0x2FFFF;
	_ =	strace $0x9FFFFFFF  }
0xc1: {  	(tm) =	ssettm $0x7FFFFFFF  }
tec
execute0_lowered:
.L_overlay_start_1:
0x0: {  	(tag) =	ssettag $0x1  }
0x1: {  	s0 =	srdreg.scid  }
0x2: {  	s4 =	rddreg [dreg:$0x0];
	s1 =	stileid.u32;
	s3 =	sand.u32 $0x1, s0  }
0x3: {  	s2 =	simm.s32 $0x0;
	s11 =	simm.s32 $0x16F80;
	s5 =	sshll.u32 s3, $0x4  }
0x4: {  	s12 =	simm.s32 $0x0;
	s0 =	rddreg [dreg:$0x1];
	s5 =	sor.u32 s1, s5  }
0x5: {  	[smem:$0x7FF] =	sst s2;
	s3 =	ssub.s32 $0x2, s3;
	s6 =	smul.u32 $0x7A12, s5  }
0x6: {  	_ =	strace $0x8000004D;
	s31 =	sshrl.u32 s3, $0x1;
	s5 =	sshll.u32 s5, $0x6  }
0x7: {  	s10 =	ssub.s32 s3, s31;
	s7 =	sadd.s32 s5, s4;
	s8 =	sadd.s32 $0x7A12, s6  }
0x8: {  	s9 =	sand.u32 $0xFFFF8, s6;
	s6 =	sshrl.u32 s6, $0x3;
	s8 =	sand.u32 $0x1FFFF8, s8  }
0x9: {  	v0 =	vlaneseq.u32;
	s3 =	sadd.s32 s4, s6;
	s6 =	sadd.s32 $0x5BE00, s7;
	s8 =	ssub.s32 s8, s9  }
0xa: {  	v2 =	vor.u32 $0x7A10, v0;
	v0 =	vor.u32 $0x7A00, v0;
	s7 =	smax.u32 s10, $0x1;
	s10 =	simm.s32 $0xF500;
	s4 =	sadd.s32 $0x1EA00, s3;
	v1 =	vmov s8  }
0xb: {  	s5 =	sadd.s32 $0x3D400, s3;
	s9 =	simm.s32 $0x7A80;
	s8 =	simm.s32 $0x1;
	vm0 =	vgt.s32 v1, v2;
	vm1 =	vgt.s32 v1, v0  }
.LBB2_1:
0xc: {  	[tilespmem:s2], [sflag:$0x1] =	stream.linear.gather [hbm4b:s4+s2], $0x7A18, $0x38;
	[tilespmem:$0x17180] =	vst v63  }
0xd: {  	_ =	swait.ge [sflag:s8], $0x7A18  }
0xe: {  	[sflag:s8] =	ssyncset.done $0x0  }
0xf: {  	[sflag:s8] =	ssyncadd.s32 $0xFFFF85E8  }
0x10: {  	[tilespmem:s9], [sflag:$0x1] =	stream.linear.gather [hbm4b:s3+s2], $0x7A18, $0x38;
	[tilespmem:$0x17180] =	vst v63  }
0x11: {  	_ =	swait.ge [sflag:s8], $0x7A18  }
0x12: {  	[sflag:s8] =	ssyncset.done $0x0  }
0x13: {  	[sflag:s8] =	ssyncadd.s32 $0xFFFF85E8  }
0x14: {  	[tilespmem:s10], [sflag:$0x1] =	stream.linear.gather [hbm4b:s5+s2], $0x7A18, $0x38;
	[tilespmem:$0x17180] =	vst v63  }
0x15: {  	_ =	swait.ge [sflag:s8], $0x7A18  }
0x16: {  	[sflag:s8] =	ssyncset.done $0x0  }
0x17: {  	s13 =	simm.s32 $0x0;
	[sflag:s8] =	ssyncadd.s32 $0xFFFF85E8  }
0x18: {  	v0 =	vld [tilespmem:s13+$0x30]  }
0x19: {  	v1 =	vld [tilespmem:s13+$0x7AB0]  }
0x1a: {  	v2 =	vld [tilespmem:s13+$0x0]  }
0x1b: {  	v3 =	vld [tilespmem:s13+$0x7A80]  }
0x1c: {  	v4 =	vld [tilespmem:s13+$0x10]  }
0x1d: {  	v5 =	vld [tilespmem:s13+$0x7A90];
	_ =	sdelay $0x1  }
0x1e: {  	v6 =	vld [tilespmem:s13+$0x20];
	v15 =	vsub.f32 v1, v0  }
0x1f: {  	v0 =	vld [tilespmem:s13+$0x7AA0]  }
0x20: {  	v1 =	vsub.f32 v3, v2;
	v21 =	vand.u32 $0x7FFFFFFF, v15  }
0x21: {  	v5 =	vsub.f32 v5, v4;
	v2 =	vsub.f32 $0.0e+00, v21  }
0x22: {  	v3 =	vand.u32 $0x7FFFFFFF, v1  }
0x23: {  	v7 =	vand.u32 $0x7FFFFFFF, v5;
	v4 =	vsub.f32 $0.0e+00, v3;
	v2 =	vmul.f32 $1.442695020e+00, v2  }
0x24: {  	v0 =	vsub.f32 v0, v6;
	v6 =	vsub.f32 $0.0e+00, v7  }
0x25: {  	(erf) = vpow2.f32 v2;
	v2 =	vmul.f32 $1.442695020e+00, v4  }
0x26: {  	v8 =	vand.u32 $0x7FFFFFFF, v0;
	v4 =	vmul.f32 $1.442695020e+00, v6  }
0x27: {  	v6 =	vsub.f32 $0.0e+00, v8;
	(erf) = vpow2.f32 v2  }
0x28: {  	v10 =	vld [tilespmem:s13+$0xF520];
	(erf) = vpow2.f32 v4  }
0x29: {  	v9 =	vld [tilespmem:s13+$0xF510];
	v4 =	vmul.f32 $1.442695020e+00, v6  }
0x2a: {  	v2 =	vld [tilespmem:s13+$0xF500]  }
0x2b: {  	(erf) = vpow2.f32 v4  }
0x2c: {  	v7 =	vadd.f32 v7, v5  }
0x2d: {  	v11 =	vadd.f32 v3, v1;
	v3 =	vcvt.s32.f32 v10  }
0x2e: {  	v14 =	vimm.f32 $0.0e+00;
	v7 =	vmul.f32 $5.000000000e-01, v7;
	v6 =	vcvt.s32.f32 v9;
	v23 =	vpop (erf)  }
0x2f: {  	v4 =	vcvt.s32.f32 v2;
	v2 =	vadd.f32 v8, v0;
	v8 =	vmul.f32 $3.010224740e-02, v23  }
0x30: {  	v18 =	vimm.f32 $0.0e+00;
	v9 =	vmul.f32 $5.000000000e-01, v11;
	v5 =	vmul.f32 v6, v5;
	v22 =	vpop (erf)  }
0x31: {  	v0 =	vmul.f32 v3, v0;
	v1 =	vmul.f32 v4, v1;
	v8 =	vadd.f32 $-1.301179230e-01, v8;
	v17 =	vpop (erf)  }
0x32: {  	v16 =	vimm.f32 $0.0e+00;
	v11 =	vmul.f32 $3.010224740e-02, v22;
	v12 =	vmul.f32 $3.010224740e-02, v17  }
0x33: {  	v10 =	vadd.f32 v4, v14;
	v19 =	vsub.f32 v9, v1;
	v8 =	vmul.f32 v8, v23  }
0x34: {  	v2 =	vmul.f32 $5.000000000e-01, v2;
	v11 =	vadd.f32 $-1.301179230e-01, v11;
	v20 =	vpop (erf);
	v1 =	vadd.f32 $-1.301179230e-01, v12  }
0x35: {  	v9 =	vmul.f32 $3.010224740e-02, v20;
	v12 =	vsub.f32 v7, v5;
	v13 =	vadd.f32 $2.833023970e-01, v8  }
0x36: {  	v11 =	vmul.f32 v11, v22;
	v8 =	vsub.f32 v2, v0;
	v0 =	vmul.f32 v1, v17  }
0x37: {  	v2 =	vadd.f32 $-1.301179230e-01, v9;
	v1 =	vadd.f32 v6, v14;
	v9 =	vimm.f32 $0.0e+00  }
0x38: {  	v26 =	vld [tilespmem:s13+$0xF530];
	v5 =	vmul.f32 v13, v23;
	v7 =	vadd.f32 $2.833023970e-01, v11;
	v13 =	vimm.f32 $0.0e+00  }
0x39: {  	v11 =	vimm.f32 $0.0e+00;
	v27 =	vadd.f32 $2.833023970e-01, v0;
	v30 =	vmul.f32 v2, v20  }
0x3a: {  	s13 =	simm.s32 $0x40;
	v0 =	vadd.f32 v3, v14;
	v2 =	vimm.f32 $0.0e+00;
	v28 =	vadd.f32 $-4.891557690e-01, v5  }
0x3b: {  	s14 =	simm.s32 $0x200;
	v25 =	vld [tilespmem:s13+$0x30];
	v29 =	vmul.f32 v7, v22;
	v7 =	vimm.f32 $0.0e+00;
	v5 =	vimm.f32 $0.0e+00  }
.LBB2_2:
0x3c: {  	p0 =	sne.s32 s14, $0x1E700;
	v31 =	vld [tilespmem:s13+$0x7AB0];
	v27 =	vmul.f32 v27, v17;
	v30 =	vadd.f32 $2.833023970e-01, v30;
	v28 =	vmul.f32 v28, v23  }
0x3d: {  	v32 =	vld [tilespmem:s13+$0x0];
	v29 =	vadd.f32 $-4.891557690e-01, v29;
	v24 =	vcvt.s32.f32 v26  }
0x3e: {  	v21 =	vadd.f32 v21, v15;
	v26 =	vld [tilespmem:s13+$0x7A80];
	v30 =	vmul.f32 v30, v20;
	v28 =	vadd.f32 $9.990102050e-01, v28  }
0x3f: {  	v27 =	vadd.f32 $-4.891557690e-01, v27;
	v33 =	vld [tilespmem:s13+$0x10];
	v29 =	vmul.f32 v29, v22;
	v34 =	vmul.f32 v24, v15  }
0x40: {  	v21 =	vmul.f32 $5.000000000e-01, v21;
	v35 =	vld [tilespmem:s13+$0x7A90];
	v30 =	vadd.f32 $-4.891557690e-01, v30;
	v23 =	vmul.f32 v28, v23  }
0x41: {  	v27 =	vmul.f32 v27, v17;
	v28 =	vld [tilespmem:s13+$0x20];
	v15 =	vsub.f32 v31, v25;
	v25 =	vadd.f32 $9.990102050e-01, v29  }
0x42: {  	v31 =	vsub.f32 v21, v34;
	v29 =	vld [tilespmem:s13+$0x7AA0];
	v30 =	vmul.f32 v30, v20;
	v23 =	vadd.f32 $2.213278460e-05, v23  }
0x43: {  	v27 =	vadd.f32 $9.990102050e-01, v27;
	v34 =	vld [tilespmem:s13+$0xF500];
	v26 =	vsub.f32 v26, v32;
	v21 =	vand.u32 $0x7FFFFFFF, v15  }
0x44: {  	v22 =	vmul.f32 v25, v22;
	v32 =	vld [tilespmem:s13+$0xF510];
	v36 =	vsub.f32 $0.0e+00, v21;
	v23 =	vadd.f32 v23, v31  }
0x45: {  	v30 =	vadd.f32 $9.990102050e-01, v30;
	v25 =	vand.u32 $0x7FFFFFFF, v26;
	v31 =	vsub.f32 v35, v33;
	v33 =	vld [tilespmem:s13+$0xF520]  }
0x46: {  	v35 =	vsub.f32 $0.0e+00, v25;
	v36 =	vmul.f32 $1.442695020e+00, v36;
	v37 =	vmul.f32 v24, v23  }
0x47: {  	v25 =	vadd.f32 v25, v26;
	v38 =	vand.u32 $0x7FFFFFFF, v31;
	v28 =	vsub.f32 v29, v28  }
0x48: {  	v29 =	vsub.f32 $0.0e+00, v38;
	(erf) = vpow2.f32 v36;
	v14 =	vadd.f32 v37, v14  }
0x49: {  	v35 =	vmul.f32 $1.442695020e+00, v35;
	v36 =	vadd.f32 v38, v31;
	v37 =	vand.u32 $0x7FFFFFFF, v28  }
0x4a: {  	v29 =	vmul.f32 $1.442695020e+00, v29;
	v38 =	vsub.f32 $0.0e+00, v37;
	v37 =	vadd.f32 v37, v28  }
0x4b: {  	v22 =	vadd.f32 $2.213278460e-05, v22;
	v34 =	vcvt.s32.f32 v34;
	(erf) = vpow2.f32 v35  }
0x4c: {  	v18 =	vadd.f32 v23, v18;
	v35 =	vmul.f32 $1.442695020e+00, v38;
	(erf) = vpow2.f32 v29  }
0x4d: {  	v22 =	vadd.f32 v22, v19;
	v29 =	vcvt.s32.f32 v32;
	v32 =	vcvt.s32.f32 v33  }
0x4e: {  	v17 =	vmul.f32 v27, v17;
	v10 =	vadd.f32 v34, v10;
	(erf) = vpow2.f32 v35  }
0x4f: {  	v20 =	vmul.f32 v30, v20;
	v19 =	vmul.f32 $5.000000000e-01, v25;
	v16 =	vadd.f32 v22, v16  }
0x50: {  	v17 =	vadd.f32 $2.213278460e-05, v17;
	v25 =	vmul.f32 $5.000000000e-01, v36;
	v27 =	vmul.f32 $5.000000000e-01, v37  }
0x51: {  	v20 =	vadd.f32 $2.213278460e-05, v20;
	v26 =	vmul.f32 v34, v26;
	v30 =	vmul.f32 v29, v31;
	v23 =	vpop (erf)  }
0x52: {  	v33 =	vadd.f32 v17, v12;
	v28 =	vmul.f32 v32, v28;
	v31 =	vmul.f32 $3.010224740e-02, v23  }
0x53: {  	v19 =	vsub.f32 v19, v26;
	v12 =	vsub.f32 v25, v30;
	v25 =	vmul.f32 v4, v22;
	v4 =	vmovc v34  }
0x54: {  	v26 =	vsub.f32 v27, v28;
	v27 =	vadd.f32 $-1.301179230e-01, v31;
	v22 =	vpop (erf);
	v31 =	vmul.f32 v6, v33  }
0x55: {  	v13 =	vadd.f32 v25, v13;
	v25 =	vadd.f32 v20, v8;
	v28 =	vmul.f32 $3.010224740e-02, v22;
	v17 =	vpop (erf)  }
0x56: {  	v8 =	vmovc v26;
	v6 =	vmovc v29;
	v30 =	vmul.f32 $3.010224740e-02, v17;
	v27 =	vmul.f32 v27, v23;
	v11 =	vadd.f32 v31, v11  }
0x57: {  	v9 =	vadd.f32 v33, v9;
	v26 =	vadd.f32 $-1.301179230e-01, v28;
	v20 =	vpop (erf);
	v28 =	vmul.f32 v3, v25  }
0x58: {  	v3 =	vmovc v32;
	v29 =	vadd.f32 $-1.301179230e-01, v30;
	v30 =	vmul.f32 $3.010224740e-02, v20;
	v27 =	vadd.f32 $2.833023970e-01, v27  }
.Ltmp0:
0x59: {  	v5 =	vadd.f32 v25, v5;
	v31 =	vmul.f32 v26, v22;
	v7 =	vadd.f32 v28, v7;
	(pc) =	sbr.rel @p0 .LBB2_2-.Ltmp0, $4  }
0x5a: {  	v25 =	vmul.f32 v29, v17;
	v28 =	vadd.f32 $-1.301179230e-01, v30;
	v26 =	vld [tilespmem:s13+$0xF530];
	v29 =	vmul.f32 v27, v23  }
0x5b: {  	v1 =	vadd.f32 v6, v1;
	v31 =	vadd.f32 $2.833023970e-01, v31  }
0x5c: {  	s13 =	sshra.s32 s14, $0x2;
	v27 =	vadd.f32 $2.833023970e-01, v25;
	v30 =	vmul.f32 v28, v20;
	v28 =	vadd.f32 $-4.891557690e-01, v29  }
0x5d: {  	v2 =	vadd.f32 v24, v2;
	v0 =	vadd.f32 v3, v0;
	s14 =	sadd.s32 $0x100, s14;
	v25 =	vld [tilespmem:s13+$0x30];
	v29 =	vmul.f32 v31, v22  }
0x5e: {  	v31 =	vld [tilespmem:s13+$0x7AB0]  }
0x5f: {  	v32 =	vld [tilespmem:s13+$0x0]  }
0x60: {  	v42 =	vld [tilespmem:s13+$0x7A80]  }
0x61: {  	v33 =	vld [tilespmem:s13+$0x10]  }
0x62: {  	v34 =	vld [tilespmem:s13+$0x7A90]  }
0x63: {  	v30 =	vadd.f32 $2.833023970e-01, v30;
	v45 =	vld [tilespmem:s13+$0x20]  }
0x64: {  	v27 =	vmul.f32 v27, v17;
	v28 =	vmul.f32 v28, v23;
	v21 =	vadd.f32 v21, v15;
	v46 =	vld [tilespmem:s13+$0x7AA0]  }
0x65: {  	v53 =	vld [tilespmem:s13+$0xF500];
	v29 =	vadd.f32 $-4.891557690e-01, v29;
	v24 =	vcvt.s32.f32 v26;
	v30 =	vmul.f32 v30, v20  }
0x66: {  	v55 =	vld [tilespmem:s13+$0xF520];
	v28 =	vadd.f32 $9.990102050e-01, v28;
	v27 =	vadd.f32 $-4.891557690e-01, v27;
	v21 =	vmul.f32 $5.000000000e-01, v21  }
0x67: {  	v29 =	vmul.f32 v29, v22;
	v43 =	vmul.f32 v24, v15;
	v2 =	vadd.f32 v24, v2  }
0x68: {  	v30 =	vadd.f32 $-4.891557690e-01, v30;
	v25 =	vsub.f32 v31, v25  }
0x69: {  	v44 =	vmul.f32 v28, v23;
	v29 =	vadd.f32 $9.990102050e-01, v29;
	v15 =	vsub.f32 v21, v43  }
0x6a: {  	v27 =	vmul.f32 v27, v17;
	v48 =	vsub.f32 v42, v32;
	v52 =	vsub.f32 v34, v33  }
0x6b: {  	v28 =	vsub.f32 v46, v45;
	v33 =	vcvt.s32.f32 v53;
	v31 =	vcvt.s32.f32 v55  }
0x6c: {  	v30 =	vmul.f32 v30, v20;
	v47 =	vadd.f32 $2.213278460e-05, v44;
	v27 =	vadd.f32 $9.990102050e-01, v27  }
0x6d: {  	v26 =	vand.u32 $0x7FFFFFFF, v25;
	v50 =	vmul.f32 v29, v22;
	v51 =	vand.u32 $0x7FFFFFFF, v48  }
0x6e: {  	v37 =	vand.u32 $0x7FFFFFFF, v52;
	v10 =	vadd.f32 v33, v10;
	v0 =	vadd.f32 v31, v0  }
0x6f: {  	v57 =	vand.u32 $0x7FFFFFFF, v28;
	v49 =	vsub.f32 $0.0e+00, v26;
	v15 =	vadd.f32 v47, v15  }
0x70: {  	v35 =	vld [tilespmem:s13+$0xF510];
	v23 =	vmul.f32 v33, v48;
	v30 =	vadd.f32 $9.990102050e-01, v30;
	v54 =	vsub.f32 $0.0e+00, v51  }
0x71: {  	v38 =	vsub.f32 $0.0e+00, v37;
	v60 =	vsub.f32 $0.0e+00, v57;
	v62 =	vmul.f32 v27, v17  }
0x72: {  	v34 =	vadd.f32 v57, v28;
	v28 =	vmul.f32 v31, v28;
	v32 =	vmul.f32 $1.442695020e+00, v49  }
0x73: {  	v21 =	vadd.f32 v51, v48;
	v36 =	vmul.f32 v24, v15;
	v56 =	vmul.f32 $1.442695020e+00, v54  }
0x74: {  	v58 =	vadd.f32 v37, v52;
	v59 =	vmul.f32 $1.442695020e+00, v38;
	v61 =	vmul.f32 $1.442695020e+00, v60  }
0x75: {  	v39 =	vld [tilespmem:$0x7A00];
	v15 =	vadd.f32 v15, v18;
	v18 =	vcvt.s32.f32 v35;
	v21 =	vmul.f32 $5.000000000e-01, v21  }
0x76: {  	v40 =	vld [tilespmem:$0xF480];
	v22 =	vadd.f32 $2.213278460e-05, v50;
	v63 =	vmul.f32 v30, v20;
	v37 =	vmul.f32 $5.000000000e-01, v58  }
0x77: {  	v26 =	vadd.f32 v26, v25;
	v38 =	vmul.f32 $5.000000000e-01, v34;
	(erf) = vpow2.f32 v32  }
0x78: {  	v57 =	vld [tilespmem:s13+$0xF530];
	v17 =	vadd.f32 $2.213278460e-05, v62;
	v19 =	vadd.f32 v22, v19;
	(erf) = vpow2.f32 v56  }
0x79: {  	v43 =	vld [tilespmem:$0x7A10];
	v14 =	vadd.f32 v36, v14;
	v20 =	vadd.f32 $2.213278460e-05, v63;
	(erf) = vpow2.f32 v59  }
0x7a: {  	v47 =	vld [tilespmem:$0xF490];
	v29 =	vmul.f32 v18, v52;
	v12 =	vadd.f32 v17, v12;
	v21 =	vsub.f32 v21, v23  }
0x7b: {  	v22 =	vsub.f32 v38, v28;
	v17 =	vsub.f32 v40, v39;
	(erf) = vpow2.f32 v61  }
0x7c: {  	v26 =	vmul.f32 $5.000000000e-01, v26;
	v1 =	vadd.f32 v18, v1;
	v16 =	vadd.f32 v19, v16  }
0x7d: {  	v4 =	vmul.f32 v4, v19;
	v63 =	vcvt.s32.f32 v57;
	v19 =	vsub.f32 v37, v29  }
0x7e: {  	v6 =	vmul.f32 v6, v12;
	v8 =	vadd.f32 v20, v8;
	v9 =	vadd.f32 v12, v9  }
0x7f: {  	v17 =	vnsel vm1, $0x0, v17;
	v4 =	vadd.f32 v4, v13;
	v13 =	vsub.f32 v47, v43  }
0x80: {  	v1 =	vadd.f32 v1, v10;
	v54 =	vand.u32 $0x7FFFFFFF, v17;
	v2 =	vadd.f32 v63, v2;
	v32 =	vpop (erf)  }
0x81: {  	v6 =	vadd.f32 v6, v11;
	v56 =	vsub.f32 $0.0e+00, v54;
	v13 =	vnsel vm0, $0x0, v13;
	v42 =	vpop (erf)  }
0x82: {  	v58 =	vand.u32 $0x7FFFFFFF, v13;
	v41 =	vmul.f32 $3.010224740e-02, v32;
	v45 =	vmul.f32 $3.010224740e-02, v42;
	v46 =	vpop (erf)  }
0x83: {  	v12 =	vmul.f32 $1.442695020e+00, v56;
	v59 =	vsub.f32 $0.0e+00, v58;
	v48 =	vmul.f32 $3.010224740e-02, v46  }
0x84: {  	v3 =	vmul.f32 v3, v8;
	v44 =	vadd.f32 $-1.301179230e-01, v41;
	v51 =	vpop (erf);
	v50 =	vadd.f32 $-1.301179230e-01, v45  }
0x85: {  	(erf) = vpow2.f32 v12;
	v53 =	vmul.f32 $3.010224740e-02, v51;
	v52 =	vadd.f32 $-1.301179230e-01, v48  }
0x86: {  	v3 =	vadd.f32 v3, v7;
	v49 =	vmul.f32 v44, v32;
	v28 =	vmul.f32 v50, v42  }
0x87: {  	v61 =	vmul.f32 $1.442695020e+00, v59;
	v20 =	vadd.f32 $-1.301179230e-01, v53;
	v55 =	vmul.f32 v52, v46  }
0x88: {  	v25 =	vmul.f32 v63, v25;
	v11 =	vadd.f32 $2.833023970e-01, v49;
	v28 =	vadd.f32 $2.833023970e-01, v28  }
0x89: {  	(erf) = vpow2.f32 v61;
	v20 =	vmul.f32 v20, v51;
	v7 =	vadd.f32 $2.833023970e-01, v55  }
0x8a: {  	v5 =	vadd.f32 v8, v5;
	v11 =	vmul.f32 v11, v32;
	v28 =	vmul.f32 v28, v42  }
0x8b: {  	v0 =	vadd.f32 v0, v1;
	v62 =	vadd.f32 $2.833023970e-01, v20;
	v7 =	vmul.f32 v7, v46  }
0x8c: {  	v11 =	vadd.f32 $-4.891557690e-01, v11;
	v28 =	vadd.f32 $-4.891557690e-01, v28  }
0x8d: {  	v25 =	vsub.f32 v26, v25;
	v12 =	vmul.f32 v62, v51;
	v7 =	vadd.f32 $-4.891557690e-01, v7  }
0x8e: {  	v0 =	vadd.f32 v2, v0;
	v60 =	vmul.f32 v11, v32;
	v11 =	vmul.f32 v28, v42  }
0x8f: {  	v53 =	vadd.f32 v58, v13;
	v36 =	vpop (erf);
	v12 =	vadd.f32 $-4.891557690e-01, v12;
	v7 =	vmul.f32 v7, v46  }
0x90: {  	v37 =	vmul.f32 $3.010224740e-02, v36;
	v8 =	vadd.f32 $9.990102050e-01, v60;
	v11 =	vadd.f32 $9.990102050e-01, v11  }
0x91: {  	v52 =	vadd.f32 v54, v17;
	v12 =	vmul.f32 v12, v51;
	v7 =	vadd.f32 $9.990102050e-01, v7  }
0x92: {  	v39 =	vpop (erf);
	v23 =	vadd.f32 $-1.301179230e-01, v37;
	v8 =	vmul.f32 v8, v32;
	v11 =	vmul.f32 v11, v42  }
0x93: {  	v44 =	vld [tilespmem:$0x16F00];
	v40 =	vmul.f32 $3.010224740e-02, v39;
	v12 =	vadd.f32 $9.990102050e-01, v12;
	v7 =	vmul.f32 v7, v46  }
0x94: {  	v54 =	vmul.f32 $5.000000000e-01, v53;
	v8 =	vadd.f32 $2.213278460e-05, v8;
	v11 =	vadd.f32 $2.213278460e-05, v11  }
0x95: {  	v41 =	vmul.f32 v23, v36;
	v42 =	vadd.f32 $-1.301179230e-01, v40;
	v7 =	vadd.f32 $2.213278460e-05, v7  }
0x96: {  	v12 =	vmul.f32 v12, v51;
	v8 =	vadd.f32 v8, v25;
	v11 =	vadd.f32 v11, v21  }
0x97: {  	v21 =	vadd.f32 $2.833023970e-01, v41;
	v7 =	vadd.f32 v7, v19;
	v19 =	vmul.f32 v42, v39  }
0x98: {  	v51 =	vcvt.s32.f32 v44;
	v12 =	vadd.f32 $2.213278460e-05, v12;
	v38 =	vmul.f32 v63, v8  }
0x99: {  	v49 =	vld [tilespmem:$0x16F10];
	v8 =	vadd.f32 v8, v15;
	v45 =	vmul.f32 v21, v36;
	v47 =	vadd.f32 $2.833023970e-01, v19  }
0x9a: {  	v43 =	vmul.f32 v33, v11;
	v12 =	vadd.f32 v12, v22;
	v11 =	vadd.f32 v11, v16  }
0x9b: {  	v16 =	vnsel vm1, $0x0, v51;
	v48 =	vadd.f32 $-4.891557690e-01, v45;
	v50 =	vmul.f32 v47, v39  }
0x9c: {  	v18 =	vmul.f32 v18, v7;
	v7 =	vadd.f32 v7, v9;
	v17 =	vmul.f32 v16, v17  }
0x9d: {  	v4 =	vadd.f32 v43, v4;
	v9 =	vmul.f32 v48, v36;
	v15 =	vadd.f32 $-4.891557690e-01, v50  }
0x9e: {  	v46 =	vmul.f32 v31, v12;
	v5 =	vadd.f32 v12, v5;
	v12 =	vcvt.s32.f32 v49  }
0x9f: {  	v6 =	vadd.f32 v18, v6;
	v9 =	vadd.f32 $9.990102050e-01, v9;
	v15 =	vmul.f32 v15, v39  }
0xa0: {  	v18 =	vmul.f32 $5.000000000e-01, v52;
	v7 =	vadd.f32 v7, v11;
	v3 =	vadd.f32 v46, v3  }
0xa1: {  	v12 =	vnsel vm0, $0x0, v12;
	v9 =	vmul.f32 v9, v36;
	v15 =	vadd.f32 $9.990102050e-01, v15  }
0xa2: {  	v4 =	vadd.f32 $0.0e+00, v4;
	v17 =	vsub.f32 v18, v17;
	v55 =	vmul.f32 v12, v13  }
0xa3: {  	v58 =	vadd.f32 v5, v7;
	v9 =	vadd.f32 $2.213278460e-05, v9;
	v56 =	vmul.f32 v15, v39  }
0xa4: {  	v4 =	vadd.f32 v6, v4;
	v6 =	vsub.f32 v54, v55  }
0xa5: {  	v9 =	vadd.f32 v9, v17;
	v57 =	vadd.f32 $2.213278460e-05, v56  }
0xa6: {  	v14 =	vadd.f32 v38, v14;
	v3 =	vadd.f32 v3, v4  }
0xa7: {  	v4 =	vadd.f32 v8, v58;
	v59 =	vnsel vm1, $0x0, v9;
	v6 =	vadd.f32 v57, v6  }
0xa8: {  	v0 =	vadd.f32 v16, v0;
	v3 =	vadd.f32 v14, v3;
	v60 =	vmul.f32 v59, v16  }
0xa9: {  	v62 =	vadd.f32 v59, v4;
	v6 =	vnsel vm0, $0x0, v6  }
0xaa: {  	v0 =	vadd.f32 v12, v0;
	v1 =	vadd.f32 v60, v3;
	v61 =	vmul.f32 v6, v12  }
0xab: {  	v63 =	vadd.f32 v6, v62  }
0xac: {  	s12 =	sadd.s32 $0x1, s12;
	[tilespmem:$0x17080] =	vst v0;
	v1 =	vadd.f32 v61, v1  }
0xad: {  	p0 =	sne.s32 s12, s7;
	[tilespmem:$0x17000] =	vst v63  }
.Ltmp1:
0xae: {  	[tilespmem:$0x16F80] =	vst v1;
	(pc) =	sbr.rel @p0 .LBB2_1-.Ltmp1, $4  }
0xaf: {  	[hbm4b:s6+s2] =	stream.linear.scatter [tilespmem:s11], [sflag:$0x1], $0x180, $0x38;
	[tilespmem:$0x17180] =	vst v63  }
0xb0: {  	_ =	swait.ge [sflag:s8], $0x180  }
0xb1: {  	[sflag:s8] =	ssyncset.done $0x0  }
0xb2: {  	[sflag:s8] =	ssyncadd.s32 $0xFFFFFE80  }
0xb3: {  	_ =	sfence.sel $0x180000  }
0xb4: {  	[bflag:$0x0] =	sbarrier.arrive $0xFFFF  }
0xb5: {  	p0 =	sne.s32 s1, $0x0;
	_ =	strace $0x9000004D  }
0xb6: {  	s0 =	sadd.s32 @!p0 $0x100000, s0;
	[bflag:$0x2] =	sbarrier.arrive $0xFFFF  }
0xb7: {  	[sflag:s0] =	ssyncadd.tile.s32 @!p0 $0x1;
	_ =	shalt  }
.Lfunc_end2:
_tile_overlayer_lowered:
.L_overlay_start_2:
0xb8: {  	(tag) =	ssettag $0x2  }
0xb9: {  	s0 =	rddreg [dreg:$0x0];
	s2 =	stileid.u32  }
0xba: {  	s1 =	rddreg [dreg:$0x1];
	p0 =	sne.s32 s2, $0x0  }
0xbb: {  	s3 =	rddreg [dreg:$0x2];
	[bflag:$0x3] =	sbarrier.arrive $0xFFFF;
	s2 =	simm.s32 @!p0 $0x1C01  }
0xbc: {  	[timem:s3], [sflag:s2] =	dma.local @!p0 [hbm:s0], s1  }
0xbd: {  	s0 =	simm.s32 @!p0 $0x1  }
0xbe: {  	_ =	swait.ge @!p0 [sflag:s0], s1  }
0xbf: {  	s1 =	ssub.s32 @!p0 $0x0, s1;
	[sflag:s0] =	ssyncset.done @!p0 $0x0  }
0xc0: {  	[sflag:s0] =	ssyncadd.s32 @!p0 s1  }
0xc1: {  	[bflag:$0x3] =	sbarrier.arrive $0xFFFF  }
0xc2: {  	_ =	shalt  }

</sc_bundles>
